<compile_context>
chip_gen: v7x
topology: tpu7x:2x2x1
jax: 0.10.2.dev20260603
libtpu: 0.0.44.dev20260713+nightly
codegen_flags: <defaults>
</compile_context>

<pallas_src>
import jax
import jax.numpy as jnp
from jax import lax
from jax.experimental import pallas as pl
from jax.experimental.pallas import tpu as pltpu
from jax.experimental.pallas import tpu_sc as plsc

N, D, G, NSEG = 320000, 128, 128, 10000
H1, H2 = 64, 256
H3, H4 = 32, 16

ROWS_BLK = 2560
NP = 327680
NB = NP // ROWS_BLK
NB_REAL = N // ROWS_BLK

NCHUNK = 2
NB_CS = (64, 64)
NB_OFF = (0, 64)

NC, NS = 2, 16
NW = NC * NS
ACC_ROWS = 10112
ZROWS = ACC_ROWS // NS
W_TILES = 10
WROWS = NSEG // W_TILES


def _mlp1_body(x_ref, w1_ref, b1_ref, w2_ref, b2_ref, o_ref):
    x = x_ref[...].astype(jnp.bfloat16)
    h1 = jnp.maximum(
        jnp.dot(x, w1_ref[...].astype(jnp.bfloat16),
                preferred_element_type=jnp.float32) + b1_ref[...],
        0.0)
    h = jnp.dot(h1.astype(jnp.bfloat16), w2_ref[...].astype(jnp.bfloat16),
                preferred_element_type=jnp.float32) + b2_ref[...]
    gates = jax.nn.sigmoid(h[:, :G])
    o_ref[...] = h[:, G:] * gates


def _mlp1_chunk(k, node_states, W1, b1, W2, b2):
    off = NB_OFF[k]
    return pl.pallas_call(
        _mlp1_body,
        grid=(NB_CS[k],),
        in_specs=[
            pl.BlockSpec(
                (ROWS_BLK, D),
                lambda i: (jnp.minimum(off + i, NB_REAL - 1), 0)),
            pl.BlockSpec((D, H1), lambda i: (0, 0)),
            pl.BlockSpec((1, H1), lambda i: (0, 0)),
            pl.BlockSpec((H1, H2), lambda i: (0, 0)),
            pl.BlockSpec((1, H2), lambda i: (0, 0)),
        ],
        out_specs=pl.BlockSpec((ROWS_BLK, G), lambda i: (i, 0)),
        out_shape=jax.ShapeDtypeStruct((NB_CS[k] * ROWS_BLK, G), jnp.float32),
        name=f"mlp1_chunk{k}",
    )(node_states, W1, b1.reshape(1, H1), W2, b2.reshape(1, H2))


def _segsum_body(gpw, ngrp, vals_hbm, idx_hbm, zeros_hbm, out_hbm, acc,
                 buf0, buf1, idxb, sem0, sem1):
    c = lax.axis_index("c")
    s = lax.axis_index("s")
    pltpu.sync_copy(zeros_hbm, acc.at[pl.ds(s * ZROWS, ZROWS)])
    w = c * NS + s
    pltpu.sync_copy(idx_hbm.at[w], idxb)
    plsc.subcore_barrier()
    base = w * gpw

    def start_load(g, buf, sem):
        r = jnp.minimum(g, ngrp - 1) * 128
        pltpu.async_copy(vals_hbm.at[pl.ds(r, 128)], buf, sem)

    def wait_load(buf, sem):
        pltpu.make_async_copy(vals_hbm.at[pl.ds(0, 128)], buf, sem).wait()

    start_load(base, buf0, sem0)
    start_load(base + 1, buf1, sem1)

    def outer(t2, carry):
        g = base + 2 * t2
        wait_load(buf0, sem0)
        pltpu.sync_copy(buf0, acc.at[idxb.at[2 * t2]], add=True)
        start_load(g + 2, buf0, sem0)
        wait_load(buf1, sem1)
        pltpu.sync_copy(buf1, acc.at[idxb.at[2 * t2 + 1]], add=True)
        start_load(g + 3, buf1, sem1)
        return carry

    lax.fori_loop(0, gpw // 2, outer, 0)
    wait_load(buf0, sem0)
    wait_load(buf1, sem1)
    plsc.subcore_barrier()

    @pl.when(s < W_TILES)
    def _():
        pltpu.sync_copy(acc.at[pl.ds(s * WROWS, WROWS)],
                        out_hbm.at[pl.ds(c * NSEG + s * WROWS, WROWS)])


def _segsum_chunk(vals, idx3d, zeros, gpw, ngrp):
    import functools
    mesh = plsc.VectorSubcoreMesh(
        core_axis_name="c", subcore_axis_name="s",
        num_cores=NC, num_subcores=NS)
    return pl.kernel(
        functools.partial(_segsum_body, gpw, ngrp),
        out_type=jax.ShapeDtypeStruct((NC * NSEG, G), jnp.float32),
        mesh=mesh,
        scratch_types=[
            pltpu.VMEM_SHARED((ACC_ROWS, G), jnp.float32),
            pltpu.VMEM((128, G), jnp.float32),
            pltpu.VMEM((128, G), jnp.float32),
            pltpu.VMEM((gpw, 128), jnp.int32),
            pltpu.SemaphoreType.DMA,
            pltpu.SemaphoreType.DMA,
        ],
    )(vals, idx3d, zeros)


def _mlp2_body(*refs):
    p_refs = refs[:NCHUNK]
    w3_ref, b3_ref, w4_ref, b4_ref, o_ref = refs[NCHUNK:]
    g = p_refs[0][:NSEG, :] + p_refs[0][NSEG:, :]
    for k in range(1, NCHUNK):
        g = g + p_refs[k][:NSEG, :] + p_refs[k][NSEG:, :]
    h = jnp.maximum(
        jnp.dot(g, w3_ref[...], preferred_element_type=jnp.float32) + b3_ref[...],
        0.0)
    o_ref[...] = (
        jnp.dot(h, w4_ref[...], preferred_element_type=jnp.float32) + b4_ref[...])


def _mlp2(partials, W3, b3, W4, b4):
    return pl.pallas_call(
        _mlp2_body,
        out_shape=jax.ShapeDtypeStruct((NSEG, H4), jnp.float32),
    )(*partials, W3, b3.reshape(1, H3), W4, b4.reshape(1, H4))


@jax.jit
def kernel(node_states, graph_idx, W1, b1, W2, b2, W3, b3, W4, b4):
    idx_pad = jnp.pad(graph_idx.astype(jnp.int32), (0, NP - N),
                      constant_values=NSEG)
    zeros = jnp.zeros((ZROWS, G), jnp.float32)
    partials = []
    for k in range(NCHUNK):
        rows0 = NB_OFF[k] * ROWS_BLK
        rows = NB_CS[k] * ROWS_BLK
        ngrp = rows // 128
        gpw = ngrp // NW
        idx3d = idx_pad[rows0:rows0 + rows].reshape(NW, gpw, 128)
        vals_k = _mlp1_chunk(k, node_states, W1, b1, W2, b2)
        partials.append(_segsum_chunk(vals_k, idx3d, zeros, gpw, ngrp))
    return _mlp2(partials, W3, b3, W4, b4)

# --- scband reference (transcript-rebuilt; emitter-appended) ---
"""Pipeline reference for scband-graph-aggregator-15187004358828 (READ-ONLY COPY).

The authoritative reference and input builder live on the scoring server;
editing this copy changes nothing except your own understanding.
"""

import jax, jax.numpy as jnp
import numpy as np

N, D, G, NSEG = 320000, 128, 128, 10000

def _lin(k, fan_in, fan_out):
    bound = 1.0 / np.sqrt(fan_in)
    kw, kb = jax.random.split(k)
    W = jax.random.uniform(kw, (fan_in, fan_out), minval=-bound, maxval=bound, dtype=jnp.float32)
    b = jax.random.uniform(kb, (fan_out,), minval=-bound, maxval=bound, dtype=jnp.float32)
    return W, b

def setup_inputs(seed: int = 0) -> dict:
    key = jax.random.key(seed)
    ks = jax.random.split(key, 6)
    node_states = jax.random.normal(ks[0], (N, D), dtype=jnp.float32)
    graph_idx = jnp.sort(jax.random.randint(ks[1], (N,), 0, NSEG, dtype=jnp.int64))
    W1, b1 = _lin(ks[2], D, 64)
    W2, b2 = _lin(ks[3], 64, 2 * G)
    W3, b3 = _lin(ks[4], G, 32)
    W4, b4 = _lin(ks[5], 32, 16)
    return {"node_states": node_states, "graph_idx": graph_idx,
            "W1": W1, "b1": b1, "W2": W2, "b2": b2,
            "W3": W3, "b3": b3, "W4": W4, "b4": b4}

def reference(node_states, graph_idx, W1, b1, W2, b2, W3, b3, W4, b4):
    # MLP1: Linear(D,64) -> ReLU -> Linear(64, 2G)
    h = jnp.maximum(node_states @ W1 + b1, 0.0) @ W2 + b2
    gates = jax.nn.sigmoid(h[:, :G])
    vals = h[:, G:] * gates
    # unsorted_segment_sum (scatter-add over graph ids)
    graph_states = jax.ops.segment_sum(vals, graph_idx, num_segments=NSEG)
    # MLP2: Linear(G,32) -> ReLU -> Linear(32,16)
    out = jnp.maximum(graph_states @ W3 + b3, 0.0) @ W4 + b4
    return out

if __name__ == "__main__":
    import jax
    _d = setup_inputs()
    print(jax.jit(kernel)(*tuple(_d.values())))

</pallas_src>

<mosaic_0001>
#map = affine_map<(d0, d1) -> (0, 0)>
#map1 = affine_map<(d0, d1) -> (0, 0, 0)>
module attributes {stable_mosaic.version = 14 : i64} {
  func.func @_segsum_body(%arg0: i32, %arg1: i32, %arg2: memref<163840x128xf32, #tpu.memory_space<hbm>>, %arg3: memref<32x40x128xi32, #tpu.memory_space<hbm>>, %arg4: memref<632x128xf32, #tpu.memory_space<hbm>>, %arg5: memref<20000x128xf32, #tpu.memory_space<hbm>>, %arg6: memref<10112x128xf32, #tpu.memory_space<vmem_shared>>, %arg7: memref<128x128xf32, #tpu.memory_space<vmem>>, %arg8: memref<128x128xf32, #tpu.memory_space<vmem>>, %arg9: memref<40x128xi32, #tpu.memory_space<vmem>>, %arg10: memref<!tpu.dma_semaphore, #tpu.memory_space<semaphore_mem>>, %arg11: memref<!tpu.dma_semaphore, #tpu.memory_space<semaphore_mem>>) attributes {dimension_semantics = [#tpu.dimension_semantics<core_parallel>, #tpu.dimension_semantics<subcore_parallel>], iteration_bounds = array<i64: 2, 16>, scalar_prefetch = 0 : i64, scratch_operands = 6 : i64, tpu.core_type = #tpu.core_type<sc_vector_subcore>, window_params = [{transform_indices = #map}, {transform_indices = #map1}, {transform_indices = #map}, {transform_indices = #map}]} {
    %mul3A = arith.constant 632 : i32
    %mul3A_0 = arith.muli %arg1, %mul3A : i32
    "tpu.region"() ({
      %run_scoped3A = tpu.sem_alloc : memref<!tpu.dma_semaphore, #tpu.memory_space<semaphore_mem>>
      %dma_start3A_40 = arith.constant 0 : i32
      %dma_start3A_41 = tpu.memref_slice %arg6[%mul3A_0, %dma_start3A_40] : memref<10112x128xf32, #tpu.memory_space<vmem_shared>> -> memref<632x128xf32, #tpu.memory_space<vmem_shared>>
      tpu.enqueue_dma source(%arg4 : memref<632x128xf32, #tpu.memory_space<hbm>>) target(%dma_start3A_41 : memref<632x128xf32, #tpu.memory_space<vmem_shared>>) target_semaphore(%run_scoped3A : memref<!tpu.dma_semaphore, #tpu.memory_space<semaphore_mem>>)
      %dma_wait3A_42 = arith.constant 0 : i32
      %dma_wait3A_43 = tpu.memref_slice %arg6[%mul3A_0, %dma_wait3A_42] : memref<10112x128xf32, #tpu.memory_space<vmem_shared>> -> memref<632x128xf32, #tpu.memory_space<vmem_shared>>
      tpu.wait_dma2 semaphore(%run_scoped3A : memref<!tpu.dma_semaphore, #tpu.memory_space<semaphore_mem>>) src(%arg4 : memref<632x128xf32, #tpu.memory_space<hbm>>) dst(%dma_wait3A_43 : memref<632x128xf32, #tpu.memory_space<vmem_shared>>)
      tpu.yield
    }) : () -> ()
    %mul3A_1 = arith.constant 16 : i32
    %mul3A_2 = arith.muli %arg0, %mul3A_1 : i32
    %add3A = arith.addi %mul3A_2, %arg1 : i32
    "tpu.region"() ({
      %run_scoped3A = tpu.sem_alloc : memref<!tpu.dma_semaphore, #tpu.memory_space<semaphore_mem>>
      %dma_start3A_40 = arith.constant 0 : i32
      %dma_start3A_41 = arith.constant 0 : i32
      %dma_start3A_42 = tpu.memref_slice %arg3[%add3A, %dma_start3A_40, %dma_start3A_41] : memref<32x40x128xi32, #tpu.memory_space<hbm>> -> memref<1x40x128xi32, #tpu.memory_space<hbm>>
      %dma_start3A_43 = tpu.memref_squeeze %dma_start3A_42 : memref<1x40x128xi32, #tpu.memory_space<hbm>> -> memref<40x128xi32, #tpu.memory_space<hbm>>
      %dma_start3A_44 = arith.constant 0 : i32
      %dma_start3A_45 = arith.constant 0 : i32
      %dma_start3A_46 = tpu.memref_slice %arg3[%add3A, %dma_start3A_44, %dma_start3A_45] : memref<32x40x128xi32, #tpu.memory_space<hbm>> -> memref<1x40x128xi32, #tpu.memory_space<hbm>>
      %dma_start3A_47 = tpu.memref_squeeze %dma_start3A_46 : memref<1x40x128xi32, #tpu.memory_space<hbm>> -> memref<40x128xi32, #tpu.memory_space<hbm>>
      tpu.enqueue_dma source(%dma_start3A_47 : memref<40x128xi32, #tpu.memory_space<hbm>>) target(%arg9 : memref<40x128xi32, #tpu.memory_space<vmem>>) target_semaphore(%run_scoped3A : memref<!tpu.dma_semaphore, #tpu.memory_space<semaphore_mem>>)
      %dma_wait3A_48 = arith.constant 0 : i32
      %dma_wait3A_49 = arith.constant 0 : i32
      %dma_wait3A_50 = tpu.memref_slice %arg3[%add3A, %dma_wait3A_48, %dma_wait3A_49] : memref<32x40x128xi32, #tpu.memory_space<hbm>> -> memref<1x40x128xi32, #tpu.memory_space<hbm>>
      %dma_wait3A_51 = tpu.memref_squeeze %dma_wait3A_50 : memref<1x40x128xi32, #tpu.memory_space<hbm>> -> memref<40x128xi32, #tpu.memory_space<hbm>>
      %dma_wait3A_52 = arith.constant 0 : i32
      %dma_wait3A_53 = arith.constant 0 : i32
      %dma_wait3A_54 = tpu.memref_slice %arg3[%add3A, %dma_wait3A_52, %dma_wait3A_53] : memref<32x40x128xi32, #tpu.memory_space<hbm>> -> memref<1x40x128xi32, #tpu.memory_space<hbm>>
      %dma_wait3A_55 = tpu.memref_squeeze %dma_wait3A_54 : memref<1x40x128xi32, #tpu.memory_space<hbm>> -> memref<40x128xi32, #tpu.memory_space<hbm>>
      tpu.wait_dma2 semaphore(%run_scoped3A : memref<!tpu.dma_semaphore, #tpu.memory_space<semaphore_mem>>) src(%dma_wait3A_55 : memref<40x128xi32, #tpu.memory_space<hbm>>) dst(%arg9 : memref<40x128xi32, #tpu.memory_space<vmem>>)
      tpu.yield
    }) : () -> ()
    %barrier3A = arith.constant 0 : index
    tpu.barrier barrier_id(%barrier3A)
    %mul3A_3 = arith.constant 40 : i32
    %mul3A_4 = arith.muli %add3A, %mul3A_3 : i32
    %min3A = arith.constant 1279 : i32
    %min3A_5 = arith.minsi %mul3A_4, %min3A : i32
    %mul3A_6 = arith.constant 128 : i32
    %mul3A_7 = arith.muli %min3A_5, %mul3A_6 : i32
    %dma_start3A = arith.constant 0 : i32
    %dma_start3A_8 = tpu.memref_slice %arg2[%mul3A_7, %dma_start3A] : memref<163840x128xf32, #tpu.memory_space<hbm>> -> memref<128x128xf32, #tpu.memory_space<hbm>>
    %dma_start3A_9 = arith.constant 0 : i32
    %dma_start3A_10 = tpu.memref_slice %arg2[%mul3A_7, %dma_start3A_9] : memref<163840x128xf32, #tpu.memory_space<hbm>> -> memref<128x128xf32, #tpu.memory_space<hbm>>
    tpu.enqueue_dma source(%dma_start3A_10 : memref<128x128xf32, #tpu.memory_space<hbm>>) target(%arg7 : memref<128x128xf32, #tpu.memory_space<vmem>>) target_semaphore(%arg10 : memref<!tpu.dma_semaphore, #tpu.memory_space<semaphore_mem>>)
    %add3A_11 = arith.constant 1 : i32
    %add3A_12 = arith.addi %mul3A_4, %add3A_11 : i32
    %min3A_13 = arith.constant 1279 : i32
    %min3A_14 = arith.minsi %add3A_12, %min3A_13 : i32
    %mul3A_15 = arith.constant 128 : i32
    %mul3A_16 = arith.muli %min3A_14, %mul3A_15 : i32
    %dma_start3A_17 = arith.constant 0 : i32
    %dma_start3A_18 = tpu.memref_slice %arg2[%mul3A_16, %dma_start3A_17] : memref<163840x128xf32, #tpu.memory_space<hbm>> -> memref<128x128xf32, #tpu.memory_space<hbm>>
    %dma_start3A_19 = arith.constant 0 : i32
    %dma_start3A_20 = tpu.memref_slice %arg2[%mul3A_16, %dma_start3A_19] : memref<163840x128xf32, #tpu.memory_space<hbm>> -> memref<128x128xf32, #tpu.memory_space<hbm>>
    tpu.enqueue_dma source(%dma_start3A_20 : memref<128x128xf32, #tpu.memory_space<hbm>>) target(%arg8 : memref<128x128xf32, #tpu.memory_space<vmem>>) target_semaphore(%arg11 : memref<!tpu.dma_semaphore, #tpu.memory_space<semaphore_mem>>)
    %scan3A = arith.constant 0 : i32
    %scan3A_21 = arith.constant 0 : i32
    %scan3A_22 = arith.constant 20 : i32
    %scan3A_23 = arith.addi %scan3A_21, %scan3A_22 : i32
    %scan3A_24 = arith.constant 1 : i32
    scf.for %scan3A_40 = %scan3A_21 to %scan3A_23 step %scan3A_24  : i32 {
      %mul3A_41 = arith.constant 2 : i32
      %mul3A_42 = arith.muli %mul3A_41, %scan3A_40 : i32
      %add3A_43 = arith.addi %mul3A_4, %mul3A_42 : i32
      %dma_wait3A_44 = arith.constant 0 : i32
      %dma_wait3A_45 = arith.constant 0 : i32
      %dma_wait3A_46 = tpu.memref_slice %arg2[%dma_wait3A_44, %dma_wait3A_45] : memref<163840x128xf32, #tpu.memory_space<hbm>> -> memref<128x128xf32, #tpu.memory_space<hbm>>
      %dma_wait3A_47 = arith.constant 0 : i32
      %dma_wait3A_48 = arith.constant 0 : i32
      %dma_wait3A_49 = tpu.memref_slice %arg2[%dma_wait3A_47, %dma_wait3A_48] : memref<163840x128xf32, #tpu.memory_space<hbm>> -> memref<128x128xf32, #tpu.memory_space<hbm>>
      tpu.wait_dma2 semaphore(%arg10 : memref<!tpu.dma_semaphore, #tpu.memory_space<semaphore_mem>>) src(%dma_wait3A_49 : memref<128x128xf32, #tpu.memory_space<hbm>>) dst(%arg7 : memref<128x128xf32, #tpu.memory_space<vmem>>)
      %mul3A_50 = arith.constant 2 : i32
      %mul3A_51 = arith.muli %mul3A_50, %scan3A_40 : i32
      "tpu.region"() ({
        %run_scoped3A = tpu.sem_alloc : memref<!tpu.dma_semaphore, #tpu.memory_space<semaphore_mem>>
        %dma_start3A_82 = arith.constant 0 : i32
        %dma_start3A_83 = tpu.memref_slice %arg9[%mul3A_51, %dma_start3A_82] : memref<40x128xi32, #tpu.memory_space<vmem>> -> memref<1x128xi32, #tpu.memory_space<vmem>>
        %dma_start3A_84 = tpu.memref_squeeze %dma_start3A_83 : memref<1x128xi32, #tpu.memory_space<vmem>> -> memref<128xi32, #tpu.memory_space<vmem>>
        %dma_start3A_85 = arith.constant 0 : i32
        %dma_start3A_86 = arith.constant 0 : i32
        %dma_start3A_87 = tpu.memref_slice %arg6[%dma_start3A_85, %dma_start3A_86] : memref<10112x128xf32, #tpu.memory_space<vmem_shared>> -> memref<10112x128xf32, #tpu.memory_space<vmem_shared>>
        tpu.enqueue_indirect_dma source(%arg7 : memref<128x128xf32, #tpu.memory_space<vmem>>) target(%dma_start3A_87 : memref<10112x128xf32, #tpu.memory_space<vmem_shared>>) offsets(%dma_start3A_84 : memref<128xi32, #tpu.memory_space<vmem>>) semaphore(%run_scoped3A : memref<!tpu.dma_semaphore, #tpu.memory_space<semaphore_mem>>) {add = true}
        %dma_wait3A_88 = arith.constant 0 : i32
        %dma_wait3A_89 = tpu.memref_slice %arg9[%mul3A_51, %dma_wait3A_88] : memref<40x128xi32, #tpu.memory_space<vmem>> -> memref<1x128xi32, #tpu.memory_space<vmem>>
        %dma_wait3A_90 = tpu.memref_squeeze %dma_wait3A_89 : memref<1x128xi32, #tpu.memory_space<vmem>> -> memref<128xi32, #tpu.memory_space<vmem>>
        %dma_wait3A_91 = arith.constant 0 : i32
        %dma_wait3A_92 = arith.constant 0 : i32
        %dma_wait3A_93 = tpu.memref_slice %arg6[%dma_wait3A_91, %dma_wait3A_92] : memref<10112x128xf32, #tpu.memory_space<vmem_shared>> -> memref<10112x128xf32, #tpu.memory_space<vmem_shared>>
        tpu.wait_indirect_dma semaphore(%run_scoped3A : memref<!tpu.dma_semaphore, #tpu.memory_space<semaphore_mem>>) src(%arg7 : memref<128x128xf32, #tpu.memory_space<vmem>>) dst(%dma_wait3A_93 : memref<10112x128xf32, #tpu.memory_space<vmem_shared>>)
        tpu.yield
      }) : () -> ()
      %add3A_52 = arith.constant 2 : i32
      %add3A_53 = arith.addi %add3A_43, %add3A_52 : i32
      %min3A_54 = arith.constant 1279 : i32
      %min3A_55 = arith.minsi %add3A_53, %min3A_54 : i32
      %mul3A_56 = arith.constant 128 : i32
      %mul3A_57 = arith.muli %min3A_55, %mul3A_56 : i32
      %dma_start3A_58 = arith.constant 0 : i32
      %dma_start3A_59 = tpu.memref_slice %arg2[%mul3A_57, %dma_start3A_58] : memref<163840x128xf32, #tpu.memory_space<hbm>> -> memref<128x128xf32, #tpu.memory_space<hbm>>
      %dma_start3A_60 = arith.constant 0 : i32
      %dma_start3A_61 = tpu.memref_slice %arg2[%mul3A_57, %dma_start3A_60] : memref<163840x128xf32, #tpu.memory_space<hbm>> -> memref<128x128xf32, #tpu.memory_space<hbm>>
      tpu.enqueue_dma source(%dma_start3A_61 : memref<128x128xf32, #tpu.memory_space<hbm>>) target(%arg7 : memref<128x128xf32, #tpu.memory_space<vmem>>) target_semaphore(%arg10 : memref<!tpu.dma_semaphore, #tpu.memory_space<semaphore_mem>>)
      %dma_wait3A_62 = arith.constant 0 : i32
      %dma_wait3A_63 = arith.constant 0 : i32
      %dma_wait3A_64 = tpu.memref_slice %arg2[%dma_wait3A_62, %dma_wait3A_63] : memref<163840x128xf32, #tpu.memory_space<hbm>> -> memref<128x128xf32, #tpu.memory_space<hbm>>
      %dma_wait3A_65 = arith.constant 0 : i32
      %dma_wait3A_66 = arith.constant 0 : i32
      %dma_wait3A_67 = tpu.memref_slice %arg2[%dma_wait3A_65, %dma_wait3A_66] : memref<163840x128xf32, #tpu.memory_space<hbm>> -> memref<128x128xf32, #tpu.memory_space<hbm>>
      tpu.wait_dma2 semaphore(%arg11 : memref<!tpu.dma_semaphore, #tpu.memory_space<semaphore_mem>>) src(%dma_wait3A_67 : memref<128x128xf32, #tpu.memory_space<hbm>>) dst(%arg8 : memref<128x128xf32, #tpu.memory_space<vmem>>)
      %mul3A_68 = arith.constant 2 : i32
      %mul3A_69 = arith.muli %mul3A_68, %scan3A_40 : i32
      %add3A_70 = arith.constant 1 : i32
      %add3A_71 = arith.addi %mul3A_69, %add3A_70 : i32
      "tpu.region"() ({
        %run_scoped3A = tpu.sem_alloc : memref<!tpu.dma_semaphore, #tpu.memory_space<semaphore_mem>>
        %dma_start3A_82 = arith.constant 0 : i32
        %dma_start3A_83 = tpu.memref_slice %arg9[%add3A_71, %dma_start3A_82] : memref<40x128xi32, #tpu.memory_space<vmem>> -> memref<1x128xi32, #tpu.memory_space<vmem>>
        %dma_start3A_84 = tpu.memref_squeeze %dma_start3A_83 : memref<1x128xi32, #tpu.memory_space<vmem>> -> memref<128xi32, #tpu.memory_space<vmem>>
        %dma_start3A_85 = arith.constant 0 : i32
        %dma_start3A_86 = arith.constant 0 : i32
        %dma_start3A_87 = tpu.memref_slice %arg6[%dma_start3A_85, %dma_start3A_86] : memref<10112x128xf32, #tpu.memory_space<vmem_shared>> -> memref<10112x128xf32, #tpu.memory_space<vmem_shared>>
        tpu.enqueue_indirect_dma source(%arg8 : memref<128x128xf32, #tpu.memory_space<vmem>>) target(%dma_start3A_87 : memref<10112x128xf32, #tpu.memory_space<vmem_shared>>) offsets(%dma_start3A_84 : memref<128xi32, #tpu.memory_space<vmem>>) semaphore(%run_scoped3A : memref<!tpu.dma_semaphore, #tpu.memory_space<semaphore_mem>>) {add = true}
        %dma_wait3A_88 = arith.constant 0 : i32
        %dma_wait3A_89 = tpu.memref_slice %arg9[%add3A_71, %dma_wait3A_88] : memref<40x128xi32, #tpu.memory_space<vmem>> -> memref<1x128xi32, #tpu.memory_space<vmem>>
        %dma_wait3A_90 = tpu.memref_squeeze %dma_wait3A_89 : memref<1x128xi32, #tpu.memory_space<vmem>> -> memref<128xi32, #tpu.memory_space<vmem>>
        %dma_wait3A_91 = arith.constant 0 : i32
        %dma_wait3A_92 = arith.constant 0 : i32
        %dma_wait3A_93 = tpu.memref_slice %arg6[%dma_wait3A_91, %dma_wait3A_92] : memref<10112x128xf32, #tpu.memory_space<vmem_shared>> -> memref<10112x128xf32, #tpu.memory_space<vmem_shared>>
        tpu.wait_indirect_dma semaphore(%run_scoped3A : memref<!tpu.dma_semaphore, #tpu.memory_space<semaphore_mem>>) src(%arg8 : memref<128x128xf32, #tpu.memory_space<vmem>>) dst(%dma_wait3A_93 : memref<10112x128xf32, #tpu.memory_space<vmem_shared>>)
        tpu.yield
      }) : () -> ()
      %add3A_72 = arith.constant 3 : i32
      %add3A_73 = arith.addi %add3A_43, %add3A_72 : i32
      %min3A_74 = arith.constant 1279 : i32
      %min3A_75 = arith.minsi %add3A_73, %min3A_74 : i32
      %mul3A_76 = arith.constant 128 : i32
      %mul3A_77 = arith.muli %min3A_75, %mul3A_76 : i32
      %dma_start3A_78 = arith.constant 0 : i32
      %dma_start3A_79 = tpu.memref_slice %arg2[%mul3A_77, %dma_start3A_78] : memref<163840x128xf32, #tpu.memory_space<hbm>> -> memref<128x128xf32, #tpu.memory_space<hbm>>
      %dma_start3A_80 = arith.constant 0 : i32
      %dma_start3A_81 = tpu.memref_slice %arg2[%mul3A_77, %dma_start3A_80] : memref<163840x128xf32, #tpu.memory_space<hbm>> -> memref<128x128xf32, #tpu.memory_space<hbm>>
      tpu.enqueue_dma source(%dma_start3A_81 : memref<128x128xf32, #tpu.memory_space<hbm>>) target(%arg8 : memref<128x128xf32, #tpu.memory_space<vmem>>) target_semaphore(%arg11 : memref<!tpu.dma_semaphore, #tpu.memory_space<semaphore_mem>>)
    }
    %scan3A_25 = arith.constant 20 : i32
    %dma_wait3A = arith.constant 0 : i32
    %dma_wait3A_26 = arith.constant 0 : i32
    %dma_wait3A_27 = tpu.memref_slice %arg2[%dma_wait3A, %dma_wait3A_26] : memref<163840x128xf32, #tpu.memory_space<hbm>> -> memref<128x128xf32, #tpu.memory_space<hbm>>
    %dma_wait3A_28 = arith.constant 0 : i32
    %dma_wait3A_29 = arith.constant 0 : i32
    %dma_wait3A_30 = tpu.memref_slice %arg2[%dma_wait3A_28, %dma_wait3A_29] : memref<163840x128xf32, #tpu.memory_space<hbm>> -> memref<128x128xf32, #tpu.memory_space<hbm>>
    tpu.wait_dma2 semaphore(%arg10 : memref<!tpu.dma_semaphore, #tpu.memory_space<semaphore_mem>>) src(%dma_wait3A_30 : memref<128x128xf32, #tpu.memory_space<hbm>>) dst(%arg7 : memref<128x128xf32, #tpu.memory_space<vmem>>)
    %dma_wait3A_31 = arith.constant 0 : i32
    %dma_wait3A_32 = arith.constant 0 : i32
    %dma_wait3A_33 = tpu.memref_slice %arg2[%dma_wait3A_31, %dma_wait3A_32] : memref<163840x128xf32, #tpu.memory_space<hbm>> -> memref<128x128xf32, #tpu.memory_space<hbm>>
    %dma_wait3A_34 = arith.constant 0 : i32
    %dma_wait3A_35 = arith.constant 0 : i32
    %dma_wait3A_36 = tpu.memref_slice %arg2[%dma_wait3A_34, %dma_wait3A_35] : memref<163840x128xf32, #tpu.memory_space<hbm>> -> memref<128x128xf32, #tpu.memory_space<hbm>>
    tpu.wait_dma2 semaphore(%arg11 : memref<!tpu.dma_semaphore, #tpu.memory_space<semaphore_mem>>) src(%dma_wait3A_36 : memref<128x128xf32, #tpu.memory_space<hbm>>) dst(%arg8 : memref<128x128xf32, #tpu.memory_space<vmem>>)
    %barrier3A_37 = arith.constant 0 : index
    tpu.barrier barrier_id(%barrier3A_37)
    %lt3A = arith.constant 10 : i32
    %lt3A_38 = arith.cmpi slt, %arg1, %lt3A : i32
    %convert_element_type3A = arith.extui %lt3A_38 : i1 to i32
    %cond3A = arith.constant 0 : i32
    %cond3A_39 = arith.cmpi ne, %convert_element_type3A, %cond3A : i32
    scf.if %cond3A_39 {
      %mul3A_40 = arith.constant 1000 : i32
      %mul3A_41 = arith.muli %arg1, %mul3A_40 : i32
      %mul3A_42 = arith.constant 10000 : i32
      %mul3A_43 = arith.muli %arg0, %mul3A_42 : i32
      %mul3A_44 = arith.constant 1000 : i32
      %mul3A_45 = arith.muli %arg1, %mul3A_44 : i32
      %add3A_46 = arith.addi %mul3A_43, %mul3A_45 : i32
      "tpu.region"() ({
        %run_scoped3A = tpu.sem_alloc : memref<!tpu.dma_semaphore, #tpu.memory_space<semaphore_mem>>
        %dma_start3A_47 = arith.constant 0 : i32
        %dma_start3A_48 = tpu.memref_slice %arg5[%add3A_46, %dma_start3A_47] : memref<20000x128xf32, #tpu.memory_space<hbm>> -> memref<1000x128xf32, #tpu.memory_space<hbm>>
        %dma_start3A_49 = arith.constant 0 : i32
        %dma_start3A_50 = tpu.memref_slice %arg6[%mul3A_41, %dma_start3A_49] : memref<10112x128xf32, #tpu.memory_space<vmem_shared>> -> memref<1000x128xf32, #tpu.memory_space<vmem_shared>>
        tpu.enqueue_dma source(%dma_start3A_50 : memref<1000x128xf32, #tpu.memory_space<vmem_shared>>) target(%dma_start3A_48 : memref<1000x128xf32, #tpu.memory_space<hbm>>) target_semaphore(%run_scoped3A : memref<!tpu.dma_semaphore, #tpu.memory_space<semaphore_mem>>)
        %dma_wait3A_51 = arith.constant 0 : i32
        %dma_wait3A_52 = tpu.memref_slice %arg5[%add3A_46, %dma_wait3A_51] : memref<20000x128xf32, #tpu.memory_space<hbm>> -> memref<1000x128xf32, #tpu.memory_space<hbm>>
        %dma_wait3A_53 = arith.constant 0 : i32
        %dma_wait3A_54 = tpu.memref_slice %arg6[%mul3A_41, %dma_wait3A_53] : memref<10112x128xf32, #tpu.memory_space<vmem_shared>> -> memref<1000x128xf32, #tpu.memory_space<vmem_shared>>
        tpu.wait_dma2 semaphore(%run_scoped3A : memref<!tpu.dma_semaphore, #tpu.memory_space<semaphore_mem>>) src(%dma_wait3A_54 : memref<1000x128xf32, #tpu.memory_space<vmem_shared>>) dst(%dma_wait3A_52 : memref<1000x128xf32, #tpu.memory_space<hbm>>)
        tpu.yield
      }) : () -> ()
    } else {
    }
    return
  }
}

#map = affine_map<(d0, d1) -> (0, 0)>
#map1 = affine_map<(d0, d1) -> (0, 0, 0)>
module attributes {stable_mosaic.version = 14 : i64} {
  func.func @_segsum_body(%arg0: i32, %arg1: i32, %arg2: memref<163840x128xf32, #tpu.memory_space<hbm>>, %arg3: memref<32x40x128xi32, #tpu.memory_space<hbm>>, %arg4: memref<632x128xf32, #tpu.memory_space<hbm>>, %arg5: memref<20000x128xf32, #tpu.memory_space<hbm>>, %arg6: memref<10112x128xf32, #tpu.memory_space<vmem_shared>>, %arg7: memref<128x128xf32, #tpu.memory_space<vmem>>, %arg8: memref<128x128xf32, #tpu.memory_space<vmem>>, %arg9: memref<40x128xi32, #tpu.memory_space<vmem>>, %arg10: memref<!tpu.dma_semaphore, #tpu.memory_space<semaphore_mem>>, %arg11: memref<!tpu.dma_semaphore, #tpu.memory_space<semaphore_mem>>) attributes {dimension_semantics = [#tpu.dimension_semantics<core_parallel>, #tpu.dimension_semantics<subcore_parallel>], iteration_bounds = array<i64: 2, 16>, scalar_prefetch = 0 : i64, scratch_operands = 6 : i64, tpu.core_type = #tpu.core_type<sc_vector_subcore>, window_params = [{transform_indices = #map}, {transform_indices = #map1}, {transform_indices = #map}, {transform_indices = #map}]} {
    %mul3A = arith.constant 632 : i32
    %mul3A_0 = arith.muli %arg1, %mul3A : i32
    "tpu.region"() ({
      %run_scoped3A = tpu.sem_alloc : memref<!tpu.dma_semaphore, #tpu.memory_space<semaphore_mem>>
      %dma_start3A_40 = arith.constant 0 : i32
      %dma_start3A_41 = tpu.memref_slice %arg6[%mul3A_0, %dma_start3A_40] : memref<10112x128xf32, #tpu.memory_space<vmem_shared>> -> memref<632x128xf32, #tpu.memory_space<vmem_shared>>
      tpu.enqueue_dma source(%arg4 : memref<632x128xf32, #tpu.memory_space<hbm>>) target(%dma_start3A_41 : memref<632x128xf32, #tpu.memory_space<vmem_shared>>) target_semaphore(%run_scoped3A : memref<!tpu.dma_semaphore, #tpu.memory_space<semaphore_mem>>)
      %dma_wait3A_42 = arith.constant 0 : i32
      %dma_wait3A_43 = tpu.memref_slice %arg6[%mul3A_0, %dma_wait3A_42] : memref<10112x128xf32, #tpu.memory_space<vmem_shared>> -> memref<632x128xf32, #tpu.memory_space<vmem_shared>>
      tpu.wait_dma2 semaphore(%run_scoped3A : memref<!tpu.dma_semaphore, #tpu.memory_space<semaphore_mem>>) src(%arg4 : memref<632x128xf32, #tpu.memory_space<hbm>>) dst(%dma_wait3A_43 : memref<632x128xf32, #tpu.memory_space<vmem_shared>>)
      tpu.yield
    }) : () -> ()
    %mul3A_1 = arith.constant 16 : i32
    %mul3A_2 = arith.muli %arg0, %mul3A_1 : i32
    %add3A = arith.addi %mul3A_2, %arg1 : i32
    "tpu.region"() ({
      %run_scoped3A = tpu.sem_alloc : memref<!tpu.dma_semaphore, #tpu.memory_space<semaphore_mem>>
      %dma_start3A_40 = arith.constant 0 : i32
      %dma_start3A_41 = arith.constant 0 : i32
      %dma_start3A_42 = tpu.memref_slice %arg3[%add3A, %dma_start3A_40, %dma_start3A_41] : memref<32x40x128xi32, #tpu.memory_space<hbm>> -> memref<1x40x128xi32, #tpu.memory_space<hbm>>
      %dma_start3A_43 = tpu.memref_squeeze %dma_start3A_42 : memref<1x40x128xi32, #tpu.memory_space<hbm>> -> memref<40x128xi32, #tpu.memory_space<hbm>>
      %dma_start3A_44 = arith.constant 0 : i32
      %dma_start3A_45 = arith.constant 0 : i32
      %dma_start3A_46 = tpu.memref_slice %arg3[%add3A, %dma_start3A_44, %dma_start3A_45] : memref<32x40x128xi32, #tpu.memory_space<hbm>> -> memref<1x40x128xi32, #tpu.memory_space<hbm>>
      %dma_start3A_47 = tpu.memref_squeeze %dma_start3A_46 : memref<1x40x128xi32, #tpu.memory_space<hbm>> -> memref<40x128xi32, #tpu.memory_space<hbm>>
      tpu.enqueue_dma source(%dma_start3A_47 : memref<40x128xi32, #tpu.memory_space<hbm>>) target(%arg9 : memref<40x128xi32, #tpu.memory_space<vmem>>) target_semaphore(%run_scoped3A : memref<!tpu.dma_semaphore, #tpu.memory_space<semaphore_mem>>)
      %dma_wait3A_48 = arith.constant 0 : i32
      %dma_wait3A_49 = arith.constant 0 : i32
      %dma_wait3A_50 = tpu.memref_slice %arg3[%add3A, %dma_wait3A_48, %dma_wait3A_49] : memref<32x40x128xi32, #tpu.memory_space<hbm>> -> memref<1x40x128xi32, #tpu.memory_space<hbm>>
      %dma_wait3A_51 = tpu.memref_squeeze %dma_wait3A_50 : memref<1x40x128xi32, #tpu.memory_space<hbm>> -> memref<40x128xi32, #tpu.memory_space<hbm>>
      %dma_wait3A_52 = arith.constant 0 : i32
      %dma_wait3A_53 = arith.constant 0 : i32
      %dma_wait3A_54 = tpu.memref_slice %arg3[%add3A, %dma_wait3A_52, %dma_wait3A_53] : memref<32x40x128xi32, #tpu.memory_space<hbm>> -> memref<1x40x128xi32, #tpu.memory_space<hbm>>
      %dma_wait3A_55 = tpu.memref_squeeze %dma_wait3A_54 : memref<1x40x128xi32, #tpu.memory_space<hbm>> -> memref<40x128xi32, #tpu.memory_space<hbm>>
      tpu.wait_dma2 semaphore(%run_scoped3A : memref<!tpu.dma_semaphore, #tpu.memory_space<semaphore_mem>>) src(%dma_wait3A_55 : memref<40x128xi32, #tpu.memory_space<hbm>>) dst(%arg9 : memref<40x128xi32, #tpu.memory_space<vmem>>)
      tpu.yield
    }) : () -> ()
    %barrier3A = arith.constant 0 : index
    tpu.barrier barrier_id(%barrier3A)
    %mul3A_3 = arith.constant 40 : i32
    %mul3A_4 = arith.muli %add3A, %mul3A_3 : i32
    %min3A = arith.constant 1279 : i32
    %min3A_5 = arith.minsi %mul3A_4, %min3A : i32
    %mul3A_6 = arith.constant 128 : i32
    %mul3A_7 = arith.muli %min3A_5, %mul3A_6 : i32
    %dma_start3A = arith.constant 0 : i32
    %dma_start3A_8 = tpu.memref_slice %arg2[%mul3A_7, %dma_start3A] : memref<163840x128xf32, #tpu.memory_space<hbm>> -> memref<128x128xf32, #tpu.memory_space<hbm>>
    %dma_start3A_9 = arith.constant 0 : i32
    %dma_start3A_10 = tpu.memref_slice %arg2[%mul3A_7, %dma_start3A_9] : memref<163840x128xf32, #tpu.memory_space<hbm>> -> memref<128x128xf32, #tpu.memory_space<hbm>>
    tpu.enqueue_dma source(%dma_start3A_10 : memref<128x128xf32, #tpu.memory_space<hbm>>) target(%arg7 : memref<128x128xf32, #tpu.memory_space<vmem>>) target_semaphore(%arg10 : memref<!tpu.dma_semaphore, #tpu.memory_space<semaphore_mem>>)
    %add3A_11 = arith.constant 1 : i32
    %add3A_12 = arith.addi %mul3A_4, %add3A_11 : i32
    %min3A_13 = arith.constant 1279 : i32
    %min3A_14 = arith.minsi %add3A_12, %min3A_13 : i32
    %mul3A_15 = arith.constant 128 : i32
    %mul3A_16 = arith.muli %min3A_14, %mul3A_15 : i32
    %dma_start3A_17 = arith.constant 0 : i32
    %dma_start3A_18 = tpu.memref_slice %arg2[%mul3A_16, %dma_start3A_17] : memref<163840x128xf32, #tpu.memory_space<hbm>> -> memref<128x128xf32, #tpu.memory_space<hbm>>
    %dma_start3A_19 = arith.constant 0 : i32
    %dma_start3A_20 = tpu.memref_slice %arg2[%mul3A_16, %dma_start3A_19] : memref<163840x128xf32, #tpu.memory_space<hbm>> -> memref<128x128xf32, #tpu.memory_space<hbm>>
    tpu.enqueue_dma source(%dma_start3A_20 : memref<128x128xf32, #tpu.memory_space<hbm>>) target(%arg8 : memref<128x128xf32, #tpu.memory_space<vmem>>) target_semaphore(%arg11 : memref<!tpu.dma_semaphore, #tpu.memory_space<semaphore_mem>>)
    %scan3A = arith.constant 0 : i32
    %scan3A_21 = arith.constant 0 : i32
    %scan3A_22 = arith.constant 20 : i32
    %scan3A_23 = arith.addi %scan3A_21, %scan3A_22 : i32
    %scan3A_24 = arith.constant 1 : i32
    scf.for %scan3A_40 = %scan3A_21 to %scan3A_23 step %scan3A_24  : i32 {
      %mul3A_41 = arith.constant 2 : i32
      %mul3A_42 = arith.muli %mul3A_41, %scan3A_40 : i32
      %add3A_43 = arith.addi %mul3A_4, %mul3A_42 : i32
      %dma_wait3A_44 = arith.constant 0 : i32
      %dma_wait3A_45 = arith.constant 0 : i32
      %dma_wait3A_46 = tpu.memref_slice %arg2[%dma_wait3A_44, %dma_wait3A_45] : memref<163840x128xf32, #tpu.memory_space<hbm>> -> memref<128x128xf32, #tpu.memory_space<hbm>>
      %dma_wait3A_47 = arith.constant 0 : i32
      %dma_wait3A_48 = arith.constant 0 : i32
      %dma_wait3A_49 = tpu.memref_slice %arg2[%dma_wait3A_47, %dma_wait3A_48] : memref<163840x128xf32, #tpu.memory_space<hbm>> -> memref<128x128xf32, #tpu.memory_space<hbm>>
      tpu.wait_dma2 semaphore(%arg10 : memref<!tpu.dma_semaphore, #tpu.memory_space<semaphore_mem>>) src(%dma_wait3A_49 : memref<128x128xf32, #tpu.memory_space<hbm>>) dst(%arg7 : memref<128x128xf32, #tpu.memory_space<vmem>>)
      %mul3A_50 = arith.constant 2 : i32
      %mul3A_51 = arith.muli %mul3A_50, %scan3A_40 : i32
      "tpu.region"() ({
        %run_scoped3A = tpu.sem_alloc : memref<!tpu.dma_semaphore, #tpu.memory_space<semaphore_mem>>
        %dma_start3A_82 = arith.constant 0 : i32
        %dma_start3A_83 = tpu.memref_slice %arg9[%mul3A_51, %dma_start3A_82] : memref<40x128xi32, #tpu.memory_space<vmem>> -> memref<1x128xi32, #tpu.memory_space<vmem>>
        %dma_start3A_84 = tpu.memref_squeeze %dma_start3A_83 : memref<1x128xi32, #tpu.memory_space<vmem>> -> memref<128xi32, #tpu.memory_space<vmem>>
        %dma_start3A_85 = arith.constant 0 : i32
        %dma_start3A_86 = arith.constant 0 : i32
        %dma_start3A_87 = tpu.memref_slice %arg6[%dma_start3A_85, %dma_start3A_86] : memref<10112x128xf32, #tpu.memory_space<vmem_shared>> -> memref<10112x128xf32, #tpu.memory_space<vmem_shared>>
        tpu.enqueue_indirect_dma source(%arg7 : memref<128x128xf32, #tpu.memory_space<vmem>>) target(%dma_start3A_87 : memref<10112x128xf32, #tpu.memory_space<vmem_shared>>) offsets(%dma_start3A_84 : memref<128xi32, #tpu.memory_space<vmem>>) semaphore(%run_scoped3A : memref<!tpu.dma_semaphore, #tpu.memory_space<semaphore_mem>>) {add = true}
        %dma_wait3A_88 = arith.constant 0 : i32
        %dma_wait3A_89 = tpu.memref_slice %arg9[%mul3A_51, %dma_wait3A_88] : memref<40x128xi32, #tpu.memory_space<vmem>> -> memref<1x128xi32, #tpu.memory_space<vmem>>
        %dma_wait3A_90 = tpu.memref_squeeze %dma_wait3A_89 : memref<1x128xi32, #tpu.memory_space<vmem>> -> memref<128xi32, #tpu.memory_space<vmem>>
        %dma_wait3A_91 = arith.constant 0 : i32
        %dma_wait3A_92 = arith.constant 0 : i32
        %dma_wait3A_93 = tpu.memref_slice %arg6[%dma_wait3A_91, %dma_wait3A_92] : memref<10112x128xf32, #tpu.memory_space<vmem_shared>> -> memref<10112x128xf32, #tpu.memory_space<vmem_shared>>
        tpu.wait_indirect_dma semaphore(%run_scoped3A : memref<!tpu.dma_semaphore, #tpu.memory_space<semaphore_mem>>) src(%arg7 : memref<128x128xf32, #tpu.memory_space<vmem>>) dst(%dma_wait3A_93 : memref<10112x128xf32, #tpu.memory_space<vmem_shared>>)
        tpu.yield
      }) : () -> ()
      %add3A_52 = arith.constant 2 : i32
      %add3A_53 = arith.addi %add3A_43, %add3A_52 : i32
      %min3A_54 = arith.constant 1279 : i32
      %min3A_55 = arith.minsi %add3A_53, %min3A_54 : i32
      %mul3A_56 = arith.constant 128 : i32
      %mul3A_57 = arith.muli %min3A_55, %mul3A_56 : i32
      %dma_start3A_58 = arith.constant 0 : i32
      %dma_start3A_59 = tpu.memref_slice %arg2[%mul3A_57, %dma_start3A_58] : memref<163840x128xf32, #tpu.memory_space<hbm>> -> memref<128x128xf32, #tpu.memory_space<hbm>>
      %dma_start3A_60 = arith.constant 0 : i32
      %dma_start3A_61 = tpu.memref_slice %arg2[%mul3A_57, %dma_start3A_60] : memref<163840x128xf32, #tpu.memory_space<hbm>> -> memref<128x128xf32, #tpu.memory_space<hbm>>
      tpu.enqueue_dma source(%dma_start3A_61 : memref<128x128xf32, #tpu.memory_space<hbm>>) target(%arg7 : memref<128x128xf32, #tpu.memory_space<vmem>>) target_semaphore(%arg10 : memref<!tpu.dma_semaphore, #tpu.memory_space<semaphore_mem>>)
      %dma_wait3A_62 = arith.constant 0 : i32
      %dma_wait3A_63 = arith.constant 0 : i32
      %dma_wait3A_64 = tpu.memref_slice %arg2[%dma_wait3A_62, %dma_wait3A_63] : memref<163840x128xf32, #tpu.memory_space<hbm>> -> memref<128x128xf32, #tpu.memory_space<hbm>>
      %dma_wait3A_65 = arith.constant 0 : i32
      %dma_wait3A_66 = arith.constant 0 : i32
      %dma_wait3A_67 = tpu.memref_slice %arg2[%dma_wait3A_65, %dma_wait3A_66] : memref<163840x128xf32, #tpu.memory_space<hbm>> -> memref<128x128xf32, #tpu.memory_space<hbm>>
      tpu.wait_dma2 semaphore(%arg11 : memref<!tpu.dma_semaphore, #tpu.memory_space<semaphore_mem>>) src(%dma_wait3A_67 : memref<128x128xf32, #tpu.memory_space<hbm>>) dst(%arg8 : memref<128x128xf32, #tpu.memory_space<vmem>>)
      %mul3A_68 = arith.constant 2 : i32
      %mul3A_69 = arith.muli %mul3A_68, %scan3A_40 : i32
      %add3A_70 = arith.constant 1 : i32
      %add3A_71 = arith.addi %mul3A_69, %add3A_70 : i32
      "tpu.region"() ({
        %run_scoped3A = tpu.sem_alloc : memref<!tpu.dma_semaphore, #tpu.memory_space<semaphore_mem>>
        %dma_start3A_82 = arith.constant 0 : i32
        %dma_start3A_83 = tpu.memref_slice %arg9[%add3A_71, %dma_start3A_82] : memref<40x128xi32, #tpu.memory_space<vmem>> -> memref<1x128xi32, #tpu.memory_space<vmem>>
        %dma_start3A_84 = tpu.memref_squeeze %dma_start3A_83 : memref<1x128xi32, #tpu.memory_space<vmem>> -> memref<128xi32, #tpu.memory_space<vmem>>
        %dma_start3A_85 = arith.constant 0 : i32
        %dma_start3A_86 = arith.constant 0 : i32
        %dma_start3A_87 = tpu.memref_slice %arg6[%dma_start3A_85, %dma_start3A_86] : memref<10112x128xf32, #tpu.memory_space<vmem_shared>> -> memref<10112x128xf32, #tpu.memory_space<vmem_shared>>
        tpu.enqueue_indirect_dma source(%arg8 : memref<128x128xf32, #tpu.memory_space<vmem>>) target(%dma_start3A_87 : memref<10112x128xf32, #tpu.memory_space<vmem_shared>>) offsets(%dma_start3A_84 : memref<128xi32, #tpu.memory_space<vmem>>) semaphore(%run_scoped3A : memref<!tpu.dma_semaphore, #tpu.memory_space<semaphore_mem>>) {add = true}
        %dma_wait3A_88 = arith.constant 0 : i32
        %dma_wait3A_89 = tpu.memref_slice %arg9[%add3A_71, %dma_wait3A_88] : memref<40x128xi32, #tpu.memory_space<vmem>> -> memref<1x128xi32, #tpu.memory_space<vmem>>
        %dma_wait3A_90 = tpu.memref_squeeze %dma_wait3A_89 : memref<1x128xi32, #tpu.memory_space<vmem>> -> memref<128xi32, #tpu.memory_space<vmem>>
        %dma_wait3A_91 = arith.constant 0 : i32
        %dma_wait3A_92 = arith.constant 0 : i32
        %dma_wait3A_93 = tpu.memref_slice %arg6[%dma_wait3A_91, %dma_wait3A_92] : memref<10112x128xf32, #tpu.memory_space<vmem_shared>> -> memref<10112x128xf32, #tpu.memory_space<vmem_shared>>
        tpu.wait_indirect_dma semaphore(%run_scoped3A : memref<!tpu.dma_semaphore, #tpu.memory_space<semaphore_mem>>) src(%arg8 : memref<128x128xf32, #tpu.memory_space<vmem>>) dst(%dma_wait3A_93 : memref<10112x128xf32, #tpu.memory_space<vmem_shared>>)
        tpu.yield
      }) : () -> ()
      %add3A_72 = arith.constant 3 : i32
      %add3A_73 = arith.addi %add3A_43, %add3A_72 : i32
      %min3A_74 = arith.constant 1279 : i32
      %min3A_75 = arith.minsi %add3A_73, %min3A_74 : i32
      %mul3A_76 = arith.constant 128 : i32
      %mul3A_77 = arith.muli %min3A_75, %mul3A_76 : i32
      %dma_start3A_78 = arith.constant 0 : i32
      %dma_start3A_79 = tpu.memref_slice %arg2[%mul3A_77, %dma_start3A_78] : memref<163840x128xf32, #tpu.memory_space<hbm>> -> memref<128x128xf32, #tpu.memory_space<hbm>>
      %dma_start3A_80 = arith.constant 0 : i32
      %dma_start3A_81 = tpu.memref_slice %arg2[%mul3A_77, %dma_start3A_80] : memref<163840x128xf32, #tpu.memory_space<hbm>> -> memref<128x128xf32, #tpu.memory_space<hbm>>
      tpu.enqueue_dma source(%dma_start3A_81 : memref<128x128xf32, #tpu.memory_space<hbm>>) target(%arg8 : memref<128x128xf32, #tpu.memory_space<vmem>>) target_semaphore(%arg11 : memref<!tpu.dma_semaphore, #tpu.memory_space<semaphore_mem>>)
    }
    %scan3A_25 = arith.constant 20 : i32
    %dma_wait3A = arith.constant 0 : i32
    %dma_wait3A_26 = arith.constant 0 : i32
    %dma_wait3A_27 = tpu.memref_slice %arg2[%dma_wait3A, %dma_wait3A_26] : memref<163840x128xf32, #tpu.memory_space<hbm>> -> memref<128x128xf32, #tpu.memory_space<hbm>>
    %dma_wait3A_28 = arith.constant 0 : i32
    %dma_wait3A_29 = arith.constant 0 : i32
    %dma_wait3A_30 = tpu.memref_slice %arg2[%dma_wait3A_28, %dma_wait3A_29] : memref<163840x128xf32, #tpu.memory_space<hbm>> -> memref<128x128xf32, #tpu.memory_space<hbm>>
    tpu.wait_dma2 semaphore(%arg10 : memref<!tpu.dma_semaphore, #tpu.memory_space<semaphore_mem>>) src(%dma_wait3A_30 : memref<128x128xf32, #tpu.memory_space<hbm>>) dst(%arg7 : memref<128x128xf32, #tpu.memory_space<vmem>>)
    %dma_wait3A_31 = arith.constant 0 : i32
    %dma_wait3A_32 = arith.constant 0 : i32
    %dma_wait3A_33 = tpu.memref_slice %arg2[%dma_wait3A_31, %dma_wait3A_32] : memref<163840x128xf32, #tpu.memory_space<hbm>> -> memref<128x128xf32, #tpu.memory_space<hbm>>
    %dma_wait3A_34 = arith.constant 0 : i32
    %dma_wait3A_35 = arith.constant 0 : i32
    %dma_wait3A_36 = tpu.memref_slice %arg2[%dma_wait3A_34, %dma_wait3A_35] : memref<163840x128xf32, #tpu.memory_space<hbm>> -> memref<128x128xf32, #tpu.memory_space<hbm>>
    tpu.wait_dma2 semaphore(%arg11 : memref<!tpu.dma_semaphore, #tpu.memory_space<semaphore_mem>>) src(%dma_wait3A_36 : memref<128x128xf32, #tpu.memory_space<hbm>>) dst(%arg8 : memref<128x128xf32, #tpu.memory_space<vmem>>)
    %barrier3A_37 = arith.constant 0 : index
    tpu.barrier barrier_id(%barrier3A_37)
    %lt3A = arith.constant 10 : i32
    %lt3A_38 = arith.cmpi slt, %arg1, %lt3A : i32
    %convert_element_type3A = arith.extui %lt3A_38 : i1 to i32
    %cond3A = arith.constant 0 : i32
    %cond3A_39 = arith.cmpi ne, %convert_element_type3A, %cond3A : i32
    scf.if %cond3A_39 {
      %mul3A_40 = arith.constant 1000 : i32
      %mul3A_41 = arith.muli %arg1, %mul3A_40 : i32
      %mul3A_42 = arith.constant 10000 : i32
      %mul3A_43 = arith.muli %arg0, %mul3A_42 : i32
      %mul3A_44 = arith.constant 1000 : i32
      %mul3A_45 = arith.muli %arg1, %mul3A_44 : i32
      %add3A_46 = arith.addi %mul3A_43, %mul3A_45 : i32
      "tpu.region"() ({
        %run_scoped3A = tpu.sem_alloc : memref<!tpu.dma_semaphore, #tpu.memory_space<semaphore_mem>>
        %dma_start3A_47 = arith.constant 0 : i32
        %dma_start3A_48 = tpu.memref_slice %arg5[%add3A_46, %dma_start3A_47] : memref<20000x128xf32, #tpu.memory_space<hbm>> -> memref<1000x128xf32, #tpu.memory_space<hbm>>
        %dma_start3A_49 = arith.constant 0 : i32
        %dma_start3A_50 = tpu.memref_slice %arg6[%mul3A_41, %dma_start3A_49] : memref<10112x128xf32, #tpu.memory_space<vmem_shared>> -> memref<1000x128xf32, #tpu.memory_space<vmem_shared>>
        tpu.enqueue_dma source(%dma_start3A_50 : memref<1000x128xf32, #tpu.memory_space<vmem_shared>>) target(%dma_start3A_48 : memref<1000x128xf32, #tpu.memory_space<hbm>>) target_semaphore(%run_scoped3A : memref<!tpu.dma_semaphore, #tpu.memory_space<semaphore_mem>>)
        %dma_wait3A_51 = arith.constant 0 : i32
        %dma_wait3A_52 = tpu.memref_slice %arg5[%add3A_46, %dma_wait3A_51] : memref<20000x128xf32, #tpu.memory_space<hbm>> -> memref<1000x128xf32, #tpu.memory_space<hbm>>
        %dma_wait3A_53 = arith.constant 0 : i32
        %dma_wait3A_54 = tpu.memref_slice %arg6[%mul3A_41, %dma_wait3A_53] : memref<10112x128xf32, #tpu.memory_space<vmem_shared>> -> memref<1000x128xf32, #tpu.memory_space<vmem_shared>>
        tpu.wait_dma2 semaphore(%run_scoped3A : memref<!tpu.dma_semaphore, #tpu.memory_space<semaphore_mem>>) src(%dma_wait3A_54 : memref<1000x128xf32, #tpu.memory_space<vmem_shared>>) dst(%dma_wait3A_52 : memref<1000x128xf32, #tpu.memory_space<hbm>>)
        tpu.yield
      }) : () -> ()
    } else {
    }
    return
  }
}

module attributes {stable_mosaic.version = 14 : i64} {
  func.func @mlp1_chunk0(%arg0: i32, %arg1: memref<2560x128xf32, #tpu.memory_space<vmem>>, %arg2: memref<128x64xf32, #tpu.memory_space<vmem>>, %arg3: memref<1x64xf32, #tpu.memory_space<vmem>>, %arg4: memref<64x256xf32, #tpu.memory_space<vmem>>, %arg5: memref<1x256xf32, #tpu.memory_space<vmem>>, %arg6: memref<2560x128xf32, #tpu.memory_space<vmem>>) attributes {dimension_semantics = [#tpu.dimension_semantics<arbitrary>], iteration_bounds = array<i64: 64>, scalar_prefetch = 0 : i64, scratch_operands = 0 : i64, tpu.core_type = #tpu.core_type<tc>, window_params = [{transform_indices = @transform_0, window_bounds = array<i64: 2560, 128>}, {pipeline_mode = #tpu.pipeline_mode<synchronous>, transform_indices = @transform_1, window_bounds = array<i64: 128, 64>}, {pipeline_mode = #tpu.pipeline_mode<synchronous>, transform_indices = @transform_2, window_bounds = array<i64: 1, 64>}, {pipeline_mode = #tpu.pipeline_mode<synchronous>, transform_indices = @transform_3, window_bounds = array<i64: 64, 256>}, {pipeline_mode = #tpu.pipeline_mode<synchronous>, transform_indices = @transform_4, window_bounds = array<i64: 1, 256>}, {transform_indices = @transform_5, window_bounds = array<i64: 2560, 128>}]} {
    %get3A = arith.constant 0 : index
    %get3A_0 = arith.constant 0 : index
    %get3A_1 = vector.load %arg1[%get3A, %get3A_0] : memref<2560x128xf32, #tpu.memory_space<vmem>>, vector<2560x128xf32>
    %convert_element_type3A = arith.truncf %get3A_1 : vector<2560x128xf32> to vector<2560x128xbf16>
    %get3A_2 = arith.constant 0 : index
    %get3A_3 = arith.constant 0 : index
    %get3A_4 = vector.load %arg2[%get3A_2, %get3A_3] : memref<128x64xf32, #tpu.memory_space<vmem>>, vector<128x64xf32>
    %convert_element_type3A_5 = arith.truncf %get3A_4 : vector<128x64xf32> to vector<128x64xbf16>
    %dot_general3A = arith.constant dense<0.000000e+00> : vector<2560x64xf32>
    %dot_general3A_6 = tpu.matmul %convert_element_type3A, %convert_element_type3A_5, %dot_general3A {dimension_numbers = #tpu.dot_dimension_numbers<[1], [0], [0], [1], [0, 0, 1, 1], [], []>, transpose_lhs_hint = false} : vector<2560x128xbf16>, vector<128x64xbf16>, vector<2560x64xf32> -> vector<2560x64xf32>
    %get3A_7 = arith.constant 0 : index
    %get3A_8 = arith.constant 0 : index
    %get3A_9 = vector.load %arg3[%get3A_7, %get3A_8] : memref<1x64xf32, #tpu.memory_space<vmem>>, vector<1x64xf32>
    %add3A = vector.broadcast %get3A_9 : vector<1x64xf32> to vector<2560x64xf32>
    %add3A_10 = arith.addf %dot_general3A_6, %add3A : vector<2560x64xf32>
    %max3A = arith.constant 0.000000e+00 : f32
    %max3A_11 = vector.broadcast %max3A : f32 to vector<2560x64xf32>
    %max3A_12 = arith.maximumf %add3A_10, %max3A_11 : vector<2560x64xf32>
    %convert_element_type3A_13 = arith.truncf %max3A_12 : vector<2560x64xf32> to vector<2560x64xbf16>
    %get3A_14 = arith.constant 0 : index
    %get3A_15 = arith.constant 0 : index
    %get3A_16 = vector.load %arg4[%get3A_14, %get3A_15] : memref<64x256xf32, #tpu.memory_space<vmem>>, vector<64x256xf32>
    %convert_element_type3A_17 = arith.truncf %get3A_16 : vector<64x256xf32> to vector<64x256xbf16>
    %dot_general3A_18 = arith.constant dense<0.000000e+00> : vector<2560x256xf32>
    %dot_general3A_19 = tpu.matmul %convert_element_type3A_13, %convert_element_type3A_17, %dot_general3A_18 {dimension_numbers = #tpu.dot_dimension_numbers<[1], [0], [0], [1], [0, 0, 1, 1], [], []>, transpose_lhs_hint = false} : vector<2560x64xbf16>, vector<64x256xbf16>, vector<2560x256xf32> -> vector<2560x256xf32>
    %get3A_20 = arith.constant 0 : index
    %get3A_21 = arith.constant 0 : index
    %get3A_22 = vector.load %arg5[%get3A_20, %get3A_21] : memref<1x256xf32, #tpu.memory_space<vmem>>, vector<1x256xf32>
    %add3A_23 = vector.broadcast %get3A_22 : vector<1x256xf32> to vector<2560x256xf32>
    %add3A_24 = arith.addf %dot_general3A_19, %add3A_23 : vector<2560x256xf32>
    %slice3A = vector.extract_strided_slice %add3A_24 {offsets = [0, 0], sizes = [2560, 128], strides = [1, 1]} : vector<2560x256xf32> to vector<2560x128xf32>
    %logistic3A = arith.negf %slice3A : vector<2560x128xf32>
    %logistic3A_25 = math.exp %logistic3A : vector<2560x128xf32>
    %logistic3A_26 = arith.constant 1.000000e+00 : f32
    %logistic3A_27 = vector.broadcast %logistic3A_26 : f32 to vector<2560x128xf32>
    %logistic3A_28 = arith.addf %logistic3A_27, %logistic3A_25 : vector<2560x128xf32>
    %logistic3A_29 = arith.divf %logistic3A_27, %logistic3A_28 : vector<2560x128xf32>
    %slice3A_30 = vector.extract_strided_slice %add3A_24 {offsets = [0, 128], sizes = [2560, 128], strides = [1, 1]} : vector<2560x256xf32> to vector<2560x128xf32>
    %mul3A = arith.mulf %slice3A_30, %logistic3A_29 : vector<2560x128xf32>
    %swap3A = arith.constant 0 : index
    %swap3A_31 = arith.constant 0 : index
    %swap3A_32 = vector.load %arg6[%swap3A, %swap3A_31] : memref<2560x128xf32, #tpu.memory_space<vmem>>, vector<2560x128xf32>
    tpu.vector_store %arg6[%swap3A, %swap3A_31], %mul3A {strides = array<i32>} : memref<2560x128xf32, #tpu.memory_space<vmem>>, vector<2560x128xf32>,
    return
  }
  func.func @transform_0(%arg0: i32) -> (i32, i32) {
    %add3A = arith.constant 0 : i32
    %add3A_0 = arith.addi %add3A, %arg0 : i32
    %min3A = arith.constant 124 : i32
    %min3A_1 = arith.minsi %add3A_0, %min3A : i32
    %c0_i32 = arith.constant 0 : i32
    %c0_i32_2 = arith.constant 0 : i32
    return %min3A_1, %c0_i32 : i32, i32
  }
  func.func @transform_1(%arg0: i32) -> (i32, i32) {
    %c0_i32 = arith.constant 0 : i32
    %c0_i32_0 = arith.constant 0 : i32
    %c0_i32_1 = arith.constant 0 : i32
    return %c0_i32, %c0_i32_0 : i32, i32
  }
  func.func @transform_2(%arg0: i32) -> (i32, i32) {
    %c0_i32 = arith.constant 0 : i32
    %c0_i32_0 = arith.constant 0 : i32
    %c0_i32_1 = arith.constant 0 : i32
    return %c0_i32, %c0_i32_0 : i32, i32
  }
  func.func @transform_3(%arg0: i32) -> (i32, i32) {
    %c0_i32 = arith.constant 0 : i32
    %c0_i32_0 = arith.constant 0 : i32
    %c0_i32_1 = arith.constant 0 : i32
    return %c0_i32, %c0_i32_0 : i32, i32
  }
  func.func @transform_4(%arg0: i32) -> (i32, i32) {
    %c0_i32 = arith.constant 0 : i32
    %c0_i32_0 = arith.constant 0 : i32
    %c0_i32_1 = arith.constant 0 : i32
    return %c0_i32, %c0_i32_0 : i32, i32
  }
  func.func @transform_5(%arg0: i32) -> (i32, i32) {
    %c0_i32 = arith.constant 0 : i32
    %c0_i32_0 = arith.constant 0 : i32
    return %arg0, %c0_i32 : i32, i32
  }
}

module attributes {stable_mosaic.version = 14 : i64} {
  func.func @_mlp2_body(%arg0: memref<20000x128xf32, #tpu.memory_space<vmem>>, %arg1: memref<20000x128xf32, #tpu.memory_space<vmem>>, %arg2: memref<128x32xf32, #tpu.memory_space<vmem>>, %arg3: memref<1x32xf32, #tpu.memory_space<vmem>>, %arg4: memref<32x16xf32, #tpu.memory_space<vmem>>, %arg5: memref<1x16xf32, #tpu.memory_space<vmem>>, %arg6: memref<10000x16xf32, #tpu.memory_space<vmem>>) attributes {dimension_semantics = [], scalar_prefetch = 0 : i64, scratch_operands = 0 : i64, tpu.core_type = #tpu.core_type<tc>} {
    %get3A = arith.constant 0 : index
    %get3A_0 = arith.constant 0 : index
    %get3A_1 = vector.load %arg0[%get3A, %get3A_0] : memref<20000x128xf32, #tpu.memory_space<vmem>>, vector<10000x128xf32>
    %get3A_2 = arith.constant 10000 : index
    %get3A_3 = arith.constant 0 : index
    %get3A_4 = vector.load %arg0[%get3A_2, %get3A_3] : memref<20000x128xf32, #tpu.memory_space<vmem>>, vector<10000x128xf32>
    %add3A = arith.addf %get3A_1, %get3A_4 : vector<10000x128xf32>
    %get3A_5 = arith.constant 0 : index
    %get3A_6 = arith.constant 0 : index
    %get3A_7 = vector.load %arg1[%get3A_5, %get3A_6] : memref<20000x128xf32, #tpu.memory_space<vmem>>, vector<10000x128xf32>
    %add3A_8 = arith.addf %add3A, %get3A_7 : vector<10000x128xf32>
    %get3A_9 = arith.constant 10000 : index
    %get3A_10 = arith.constant 0 : index
    %get3A_11 = vector.load %arg1[%get3A_9, %get3A_10] : memref<20000x128xf32, #tpu.memory_space<vmem>>, vector<10000x128xf32>
    %add3A_12 = arith.addf %add3A_8, %get3A_11 : vector<10000x128xf32>
    %get3A_13 = arith.constant 0 : index
    %get3A_14 = arith.constant 0 : index
    %get3A_15 = vector.load %arg2[%get3A_13, %get3A_14] : memref<128x32xf32, #tpu.memory_space<vmem>>, vector<128x32xf32>
    %dot_general3A = arith.constant dense<0.000000e+00> : vector<10000x32xf32>
    %dot_general3A_16 = tpu.matmul %add3A_12, %get3A_15, %dot_general3A {dimension_numbers = #tpu.dot_dimension_numbers<[1], [0], [0], [1], [0, 0, 1, 1], [], []>, transpose_lhs_hint = false} : vector<10000x128xf32>, vector<128x32xf32>, vector<10000x32xf32> -> vector<10000x32xf32>
    %get3A_17 = arith.constant 0 : index
    %get3A_18 = arith.constant 0 : index
    %get3A_19 = vector.load %arg3[%get3A_17, %get3A_18] : memref<1x32xf32, #tpu.memory_space<vmem>>, vector<1x32xf32>
    %add3A_20 = vector.broadcast %get3A_19 : vector<1x32xf32> to vector<10000x32xf32>
    %add3A_21 = arith.addf %dot_general3A_16, %add3A_20 : vector<10000x32xf32>
    %max3A = arith.constant 0.000000e+00 : f32
    %max3A_22 = vector.broadcast %max3A : f32 to vector<10000x32xf32>
    %max3A_23 = arith.maximumf %add3A_21, %max3A_22 : vector<10000x32xf32>
    %get3A_24 = arith.constant 0 : index
    %get3A_25 = arith.constant 0 : index
    %get3A_26 = vector.load %arg4[%get3A_24, %get3A_25] : memref<32x16xf32, #tpu.memory_space<vmem>>, vector<32x16xf32>
    %dot_general3A_27 = arith.constant dense<0.000000e+00> : vector<10000x16xf32>
    %dot_general3A_28 = tpu.matmul %max3A_23, %get3A_26, %dot_general3A_27 {dimension_numbers = #tpu.dot_dimension_numbers<[1], [0], [0], [1], [0, 0, 1, 1], [], []>, transpose_lhs_hint = false} : vector<10000x32xf32>, vector<32x16xf32>, vector<10000x16xf32> -> vector<10000x16xf32>
    %get3A_29 = arith.constant 0 : index
    %get3A_30 = arith.constant 0 : index
    %get3A_31 = vector.load %arg5[%get3A_29, %get3A_30] : memref<1x16xf32, #tpu.memory_space<vmem>>, vector<1x16xf32>
    %add3A_32 = vector.broadcast %get3A_31 : vector<1x16xf32> to vector<10000x16xf32>
    %add3A_33 = arith.addf %dot_general3A_28, %add3A_32 : vector<10000x16xf32>
    %swap3A = arith.constant 0 : index
    %swap3A_34 = arith.constant 0 : index
    %swap3A_35 = vector.load %arg6[%swap3A, %swap3A_34] : memref<10000x16xf32, #tpu.memory_space<vmem>>, vector<10000x16xf32>
    tpu.vector_store %arg6[%swap3A, %swap3A_34], %add3A_33 {strides = array<i32>} : memref<10000x16xf32, #tpu.memory_space<vmem>>, vector<10000x16xf32>,
    return
  }
}

module attributes {stable_mosaic.version = 14 : i64} {
  func.func @mlp1_chunk1(%arg0: i32, %arg1: memref<2560x128xf32, #tpu.memory_space<vmem>>, %arg2: memref<128x64xf32, #tpu.memory_space<vmem>>, %arg3: memref<1x64xf32, #tpu.memory_space<vmem>>, %arg4: memref<64x256xf32, #tpu.memory_space<vmem>>, %arg5: memref<1x256xf32, #tpu.memory_space<vmem>>, %arg6: memref<2560x128xf32, #tpu.memory_space<vmem>>) attributes {dimension_semantics = [#tpu.dimension_semantics<arbitrary>], iteration_bounds = array<i64: 64>, scalar_prefetch = 0 : i64, scratch_operands = 0 : i64, tpu.core_type = #tpu.core_type<tc>, window_params = [{transform_indices = @transform_0, window_bounds = array<i64: 2560, 128>}, {pipeline_mode = #tpu.pipeline_mode<synchronous>, transform_indices = @transform_1, window_bounds = array<i64: 128, 64>}, {pipeline_mode = #tpu.pipeline_mode<synchronous>, transform_indices = @transform_2, window_bounds = array<i64: 1, 64>}, {pipeline_mode = #tpu.pipeline_mode<synchronous>, transform_indices = @transform_3, window_bounds = array<i64: 64, 256>}, {pipeline_mode = #tpu.pipeline_mode<synchronous>, transform_indices = @transform_4, window_bounds = array<i64: 1, 256>}, {transform_indices = @transform_5, window_bounds = array<i64: 2560, 128>}]} {
    %get3A = arith.constant 0 : index
    %get3A_0 = arith.constant 0 : index
    %get3A_1 = vector.load %arg1[%get3A, %get3A_0] : memref<2560x128xf32, #tpu.memory_space<vmem>>, vector<2560x128xf32>
    %convert_element_type3A = arith.truncf %get3A_1 : vector<2560x128xf32> to vector<2560x128xbf16>
    %get3A_2 = arith.constant 0 : index
    %get3A_3 = arith.constant 0 : index
    %get3A_4 = vector.load %arg2[%get3A_2, %get3A_3] : memref<128x64xf32, #tpu.memory_space<vmem>>, vector<128x64xf32>
    %convert_element_type3A_5 = arith.truncf %get3A_4 : vector<128x64xf32> to vector<128x64xbf16>
    %dot_general3A = arith.constant dense<0.000000e+00> : vector<2560x64xf32>
    %dot_general3A_6 = tpu.matmul %convert_element_type3A, %convert_element_type3A_5, %dot_general3A {dimension_numbers = #tpu.dot_dimension_numbers<[1], [0], [0], [1], [0, 0, 1, 1], [], []>, transpose_lhs_hint = false} : vector<2560x128xbf16>, vector<128x64xbf16>, vector<2560x64xf32> -> vector<2560x64xf32>
    %get3A_7 = arith.constant 0 : index
    %get3A_8 = arith.constant 0 : index
    %get3A_9 = vector.load %arg3[%get3A_7, %get3A_8] : memref<1x64xf32, #tpu.memory_space<vmem>>, vector<1x64xf32>
    %add3A = vector.broadcast %get3A_9 : vector<1x64xf32> to vector<2560x64xf32>
    %add3A_10 = arith.addf %dot_general3A_6, %add3A : vector<2560x64xf32>
    %max3A = arith.constant 0.000000e+00 : f32
    %max3A_11 = vector.broadcast %max3A : f32 to vector<2560x64xf32>
    %max3A_12 = arith.maximumf %add3A_10, %max3A_11 : vector<2560x64xf32>
    %convert_element_type3A_13 = arith.truncf %max3A_12 : vector<2560x64xf32> to vector<2560x64xbf16>
    %get3A_14 = arith.constant 0 : index
    %get3A_15 = arith.constant 0 : index
    %get3A_16 = vector.load %arg4[%get3A_14, %get3A_15] : memref<64x256xf32, #tpu.memory_space<vmem>>, vector<64x256xf32>
    %convert_element_type3A_17 = arith.truncf %get3A_16 : vector<64x256xf32> to vector<64x256xbf16>
    %dot_general3A_18 = arith.constant dense<0.000000e+00> : vector<2560x256xf32>
    %dot_general3A_19 = tpu.matmul %convert_element_type3A_13, %convert_element_type3A_17, %dot_general3A_18 {dimension_numbers = #tpu.dot_dimension_numbers<[1], [0], [0], [1], [0, 0, 1, 1], [], []>, transpose_lhs_hint = false} : vector<2560x64xbf16>, vector<64x256xbf16>, vector<2560x256xf32> -> vector<2560x256xf32>
    %get3A_20 = arith.constant 0 : index
    %get3A_21 = arith.constant 0 : index
    %get3A_22 = vector.load %arg5[%get3A_20, %get3A_21] : memref<1x256xf32, #tpu.memory_space<vmem>>, vector<1x256xf32>
    %add3A_23 = vector.broadcast %get3A_22 : vector<1x256xf32> to vector<2560x256xf32>
    %add3A_24 = arith.addf %dot_general3A_19, %add3A_23 : vector<2560x256xf32>
    %slice3A = vector.extract_strided_slice %add3A_24 {offsets = [0, 0], sizes = [2560, 128], strides = [1, 1]} : vector<2560x256xf32> to vector<2560x128xf32>
    %logistic3A = arith.negf %slice3A : vector<2560x128xf32>
    %logistic3A_25 = math.exp %logistic3A : vector<2560x128xf32>
    %logistic3A_26 = arith.constant 1.000000e+00 : f32
    %logistic3A_27 = vector.broadcast %logistic3A_26 : f32 to vector<2560x128xf32>
    %logistic3A_28 = arith.addf %logistic3A_27, %logistic3A_25 : vector<2560x128xf32>
    %logistic3A_29 = arith.divf %logistic3A_27, %logistic3A_28 : vector<2560x128xf32>
    %slice3A_30 = vector.extract_strided_slice %add3A_24 {offsets = [0, 128], sizes = [2560, 128], strides = [1, 1]} : vector<2560x256xf32> to vector<2560x128xf32>
    %mul3A = arith.mulf %slice3A_30, %logistic3A_29 : vector<2560x128xf32>
    %swap3A = arith.constant 0 : index
    %swap3A_31 = arith.constant 0 : index
    %swap3A_32 = vector.load %arg6[%swap3A, %swap3A_31] : memref<2560x128xf32, #tpu.memory_space<vmem>>, vector<2560x128xf32>
    tpu.vector_store %arg6[%swap3A, %swap3A_31], %mul3A {strides = array<i32>} : memref<2560x128xf32, #tpu.memory_space<vmem>>, vector<2560x128xf32>,
    return
  }
  func.func @transform_0(%arg0: i32) -> (i32, i32) {
    %add3A = arith.constant 64 : i32
    %add3A_0 = arith.addi %add3A, %arg0 : i32
    %min3A = arith.constant 124 : i32
    %min3A_1 = arith.minsi %add3A_0, %min3A : i32
    %c0_i32 = arith.constant 0 : i32
    %c0_i32_2 = arith.constant 0 : i32
    return %min3A_1, %c0_i32 : i32, i32
  }
  func.func @transform_1(%arg0: i32) -> (i32, i32) {
    %c0_i32 = arith.constant 0 : i32
    %c0_i32_0 = arith.constant 0 : i32
    %c0_i32_1 = arith.constant 0 : i32
    return %c0_i32, %c0_i32_0 : i32, i32
  }
  func.func @transform_2(%arg0: i32) -> (i32, i32) {
    %c0_i32 = arith.constant 0 : i32
    %c0_i32_0 = arith.constant 0 : i32
    %c0_i32_1 = arith.constant 0 : i32
    return %c0_i32, %c0_i32_0 : i32, i32
  }
  func.func @transform_3(%arg0: i32) -> (i32, i32) {
    %c0_i32 = arith.constant 0 : i32
    %c0_i32_0 = arith.constant 0 : i32
    %c0_i32_1 = arith.constant 0 : i32
    return %c0_i32, %c0_i32_0 : i32, i32
  }
  func.func @transform_4(%arg0: i32) -> (i32, i32) {
    %c0_i32 = arith.constant 0 : i32
    %c0_i32_0 = arith.constant 0 : i32
    %c0_i32_1 = arith.constant 0 : i32
    return %c0_i32, %c0_i32_0 : i32, i32
  }
  func.func @transform_5(%arg0: i32) -> (i32, i32) {
    %c0_i32 = arith.constant 0 : i32
    %c0_i32_0 = arith.constant 0 : i32
    return %arg0, %c0_i32 : i32, i32
  }
}

</mosaic_0001>

<sc_bundles>
// kernel: kernel.5.cloned.1.call-start
scs
__scs_entry_jumppad:
0x0: {  	(pc) =	sbr.rel $0x88, $3  }
0x1: {  	(tag) =	ssettag $0x0;
	lr =	simm.s32 $0x1  }
0x2: {  	[smem:$0x3F97] =	sst lr;
	_ =	strace $0xD0000000  }
0x3: {  	_ = 	snop  }
0x4: {  	_ = 	snop  }
0x5: {  	_ = 	snop  }
0x6: {  	_ = 	snop  }
0x7: {  	_ = 	snop  }
__scs_overlays_trampoline_lowered:
0x8: {  	[smem:$0x3FA6] =	sst s0  }
0x9: {  	[smem:$0x3FA7] =	sst s1  }
0xa: {  	[smem:$0x3FA8] =	sst s2  }
0xb: {  	[smem:$0x3FA9] =	sst s3  }
0xc: {  	[smem:$0x3FAA] =	sst s4  }
0xd: {  	[smem:$0x3FAB] =	sst s5  }
0xe: {  	[smem:$0x3FAC] =	sst s6  }
0xf: {  	[smem:$0x3FAD] =	sst s7  }
0x10: {  	[smem:$0x3FAE] =	sst s8  }
0x11: {  	[smem:$0x3FAF] =	sst s9;
	s0 =	simm.s32 @!p0 $0x0  }
0x12: {  	s1 =	sld [smem:$0x3F95];
	s0 =	simm.s32 @p0 $0x1  }
0x13: {  	[smem:$0x3FB0] =	sst s0;
	s0 =	simm.s32 @!p1 $0x0  }
0x14: {  	s2 =	sld [smem:$0x3F94];
	s0 =	simm.s32 @p1 $0x1  }
0x15: {  	[smem:$0x3FB1] =	sst s0;
	s0 =	simm.s32 @!p2 $0x0  }
0x16: {  	s3 =	sld [smem:$0x3FDB];
	s0 =	simm.s32 @p2 $0x1  }
0x17: {  	s4 =	simm.s32 $0x1BF5;
	[smem:$0x3FB3] =	sst s0  }
0x18: {  	s0 =	sld [smem:$0x3F96];
	_ =	swait.ge [sflag:s4], $0x0  }
0x19: {  	s7 =	sld [smem:$0x3F97]  }
0x1a: {  	s8 =	sadd.s32 $0xFFFFE003, lr  }
0x1b: {  	s9 =	sadd.s32 $0xFFFFFEF7, lr;
	s5 =	simm.s32 $0xFFFFFFFF;
	p2 =	slt.u32 s8, $0xFFFFF086  }
0x1c: {  	p1 =	slt.u32 s9, $0xF7A;
	s5 =	simm.s32 @!p2 $0x0  }
0x1d: {  	s5 =	simm.s32 @p1 $0x1;
	p0 =	seq.s32 s7, s2  }
0x1e: {  	s7 =	smul.u32 @!p0 $0xF7A, s2;
	p2 =	seq.s32 @!p0 s5, $0x0  }
0x1f: {  	s9 =	smul.u32 $0xF7A, s1;
	s8 =	simm.s32 @!p0 $0x1BF5;
	p2 =	por !p2, p0  }
0x20: {  	[sflag:s8] =	ssyncset.s32 @!p0 $0xFFFFF086;
	s6 =	sadd.s32 @!p0 s3, s7;
	s7 =	simm.s32 @!p0 $0x108  }
0x21: {  	s3 =	sadd.s32 s3, s9;
	s6 =	sadd.s32 @!p0 $0x88, s6;
	s7 =	simm.s32 @p2 $0x1082  }
0x22: {  	[simem:s7], [sflag:s8] =	dma.local @!p0 [hbm:s6], $0xF7A  }
0x23: {  	s9 =	sor.u32 $0xD0000000, s2;
	s6 =	simm.s32 $0x108;
	_ =	swait.ge @!p0 [sflag:s8], $0x0  }
0x24: {  	s3 =	sadd.s32 $0x88, s3;
	s6 =	simm.s32 @!p1 $0x1082;
	[sflag:s4] =	ssyncset.s32 $0xFFFFF086  }
0x25: {  	[simem:s6], [sflag:s4] =	dma.local [hbm:s3], $0xF7A  }
0x26: {  	[smem:$0x3F97] =	sst s1;
	(tag) =	ssettag s2;
	_ =	strace s9  }
0x27: {  	s1 =	sld [smem:$0x3FA7]  }
0x28: {  	s2 =	sld [smem:$0x3FA8]  }
0x29: {  	s4 =	sld [smem:$0x3FAA]  }
0x2a: {  	p0 =	seq.s32 s5, $0x0;
	s5 =	sld [smem:$0x3FAB]  }
0x2b: {  	s6 =	sld [smem:$0x3FAC]  }
0x2c: {  	s7 =	sld [smem:$0x3FAD]  }
0x2d: {  	s3 =	simm.s32 $0x108;
	s8 =	sld [smem:$0x3FAE]  }
0x2e: {  	s3 =	simm.s32 @!p0 $0x1082;
	s9 =	sld [smem:$0x3FAF]  }
0x2f: {  	lr =	sadd.s32 s0, s3;
	s0 =	sld [smem:$0x3FA6]  }
0x30: {  	s3 =	sld [smem:$0x3FA9]  }
0x31: {  	[smem:$0x3FB2] =	sst s10  }
0x32: {  	s10 =	sld [smem:$0x3FB0];
	_ =	sdelay $0x3  }
0x33: {  	p0 =	seq.s32 s10, $0x1;
	s10 =	sld [smem:$0x3FB2];
	_ =	sdelay $0x3  }
0x34: {  	[smem:$0x3FB2] =	sst s10  }
0x35: {  	s10 =	sld [smem:$0x3FB1];
	_ =	sdelay $0x3  }
0x36: {  	p1 =	seq.s32 s10, $0x1;
	s10 =	sld [smem:$0x3FB2];
	_ =	sdelay $0x3  }
0x37: {  	[smem:$0x3FB2] =	sst s10  }
0x38: {  	s10 =	sld [smem:$0x3FB3]  }
0x39: {  	_ = 	snop;
	(pc) =	sbr.ind lr, $3  }
0x3a: {  	_ = 	snop  }
0x3b: {  	_ = 	snop  }
0x3c: {  	p2 =	seq.s32 s10, $0x1;
	s10 =	sld [smem:$0x3FB2]  }
0x3d: {  	_ =	shalt  }
0x3e: {  	_ =	shalt  }
0x3f: {  	_ =	shalt  }
0x40: {  	_ =	shalt  }
0x41: {  	_ =	shalt  }
0x42: {  	_ =	shalt  }
0x43: {  	_ =	shalt  }
0x44: {  	_ =	shalt  }
0x45: {  	_ =	shalt  }
0x46: {  	_ =	shalt  }
0x47: {  	_ =	shalt  }
0x48: {  	_ =	shalt  }
0x49: {  	_ =	shalt  }
0x4a: {  	_ =	shalt  }
0x4b: {  	_ =	shalt  }
0x4c: {  	_ =	shalt  }
0x4d: {  	_ =	shalt  }
0x4e: {  	_ =	shalt  }
0x4f: {  	_ =	shalt  }
0x50: {  	_ =	shalt  }
0x51: {  	_ =	shalt  }
0x52: {  	_ =	shalt  }
0x53: {  	_ =	shalt  }
0x54: {  	_ =	shalt  }
0x55: {  	_ =	shalt  }
0x56: {  	_ =	shalt  }
0x57: {  	_ =	shalt  }
0x58: {  	_ =	shalt  }
0x59: {  	_ =	shalt  }
0x5a: {  	_ =	shalt  }
0x5b: {  	_ =	shalt  }
0x5c: {  	_ =	shalt  }
0x5d: {  	_ =	shalt  }
0x5e: {  	_ =	shalt  }
0x5f: {  	_ =	shalt  }
0x60: {  	_ =	shalt  }
0x61: {  	_ =	shalt  }
0x62: {  	_ =	shalt  }
0x63: {  	_ =	shalt  }
0x64: {  	_ =	shalt  }
0x65: {  	_ =	shalt  }
0x66: {  	_ =	shalt  }
0x67: {  	_ =	shalt  }
0x68: {  	_ =	shalt  }
0x69: {  	_ =	shalt  }
0x6a: {  	_ =	shalt  }
0x6b: {  	_ =	shalt  }
0x6c: {  	_ =	shalt  }
0x6d: {  	_ =	shalt  }
0x6e: {  	_ =	shalt  }
0x6f: {  	_ =	shalt  }
0x70: {  	_ =	shalt  }
0x71: {  	_ =	shalt  }
0x72: {  	_ =	shalt  }
0x73: {  	_ =	shalt  }
0x74: {  	_ =	shalt  }
0x75: {  	_ =	shalt  }
0x76: {  	_ =	shalt  }
0x77: {  	_ =	shalt  }
0x78: {  	_ =	shalt  }
0x79: {  	_ =	shalt  }
0x7a: {  	_ =	shalt  }
0x7b: {  	_ =	shalt  }
0x7c: {  	_ =	shalt  }
0x7d: {  	_ =	shalt  }
0x7e: {  	_ =	shalt  }
0x7f: {  	_ =	shalt  }
0x80: {  	_ =	shalt  }
0x81: {  	_ =	shalt  }
0x82: {  	_ =	shalt  }
0x83: {  	_ =	shalt  }
0x84: {  	_ =	shalt  }
0x85: {  	_ =	shalt  }
0x86: {  	_ =	shalt  }
0x87: {  	_ =	shalt  }
.Lfunc_end0:
.L_simem_size_0:
called_computation_lowered:
.L_overlay_start_0:
0x88: {  	s2 =	sld [smem:$0x3FD9]  }
0x89: {  	s3 =	sld [smem:$0x3FFE];
	_ =	sdelay $0x1  }
0x8a: {  	s1 =	srdreg.scid  }
0x8b: {  	s0 =	sand.u32 $0x1, s1  }
0x8c: {  	s17 =	sshll.u32 s0, $0xA;
	s2 =	sadd.s32 s3, s2  }
0x8d: {  	s2 =	sadd.s32 s2, s17  }
0x8e: {  	[smem:$0x3FBE] =	sst s2  }
0x8f: {  	_ = 	snop  }
0x90: {  	s18 =	sld [smem:$0x3FD0];
	(tm) =	ssettm $0x1  }
0x91: {  	s19 =	sld [smem:$0x3FFB];
	_ =	sdelay $0x3  }
0x92: {  	_ =	strace s19  }
0x93: {  	s2 =	sld [smem:$0x3FFC];
	_ =	sdelay $0x3  }
0x94: {  	_ =	strace s2  }
0x95: {  	s2 =	sld [smem:$0x3FFD];
	_ =	sdelay $0x3  }
0x96: {  	_ =	strace s2  }
0x97: {  	_ =	strace $0x8FFFFFFF  }
0x98: {  	s20 =	sld [smem:$0x3FDB];
	_ =	sdelay $0x1  }
0x99: {  	s4 =	simm.s32 $_scs_section_size  }
0x9a: {  	s5 =	simm.s32 $_size__tile_overlayer_lowered;
	s6 =	simm.s32 $_tile_overlayer_lowered  }
0x9b: {  	s7 =	simm.s32 $0x1BFF;
	s21 =	sshll.u32 s6, $0x1;
	s4 =	sadd.s32 s4, s20  }
0x9c: {  	s22 =	simm.s32 $0x0;
	s5 =	sshll.u32 s5, $0x1;
	s6 =	sadd.s32 s21, s4  }
0x9d: {  	[timem:s22], [sflag:s7] =	dma.local [hbm:s6], s5  }
0x9e: {  	_ =	swait.ge [sflag:s7], s5  }
0x9f: {  	s5 =	ssub.s32 $0x0, s5;
	[sflag:s7] =	ssyncset.done $0x0  }
0xa0: {  	[sflag:s7] =	ssyncadd.s32 s5;
	_ =	sdelay $0x1  }
0xa1: {  	s23 =	simm.s32 $0x1B8B  }
0xa2: {  	_ =	swait.ge [sflag:s23], $0x1  }
0xa3: {  	[sflag:s23] =	ssyncset.done $0x0  }
0xa4: {  	[sflag:s23] =	ssyncadd.s32 $0xFFFFFFFF  }
0xa5: {  	s5 =	sld [smem:$0x0]  }
0xa6: {  	s6 =	sand.u32 $0xFFFFFFFE, s1  }
0xa7: {  	p0 =	sne.s32 s1, s6  }
0xa8: {  	s6 =	sshll.u32 @p0 s6, $0xE  }
0xa9: {  	s6 =	sadd.s32 @p0 $0x11B8D, s6;
	s7 =	sshll.u32 @p0 s5, $0x11  }
0xaa: {  	s6 =	sor.u32 @p0 s7, s6  }
0xab: {  	[sflag:s6] =	ssyncadd.remote.s32 @p0 $0x1;
	_ =	sdelay $0x1  }
0xac: {  	s6 =	simm.s32 @p0 $0x1B8D  }
0xad: {  	_ =	swait.eq @p0 [sflag:s6], $0x1  }
0xae: {  	[sflag:s6] =	ssyncadd.s32 @p0 $0xFFFFFFFF  }
0xaf: {  	s7 =	sshll.u32 @!p0 s1, $0xE  }
0xb0: {  	s7 =	sor.u32 @!p0 $0x4000, s7;
	s6 =	simm.s32 @!p0 $0x1B8D  }
0xb1: {  	s5 =	sshll.u32 @!p0 s5, $0x11;
	s7 =	sadd.s32 @!p0 $0x11B8D, s7;
	_ =	swait.eq @!p0 [sflag:s6], $0x1  }
0xb2: {  	s5 =	sor.u32 @!p0 s5, s7;
	[sflag:s6] =	ssyncadd.s32 @!p0 $0xFFFFFFFF  }
0xb3: {  	s25 =	simm.s32 $0x1B8E;
	s24 =	sld [smem:$0x3FFE];
	[sflag:s5] =	ssyncadd.remote.s32 @!p0 $0x1  }
0xb4: {  	s26 =	simm.s32 $execute0_lowered;
	[smem:$0x3FD2] =	sst s25  }
0xb5: {  	s6 =	sshll.u32 s26, $0x1;
	_ =	strace $0x80000049;
	[dreg:$0x1] =	wrdreg $0xFFFFFFFF  }
0xb6: {  	s28 =	simm.s32 $_size_execute0_lowered;
	s4 =	sadd.s32 s4, s6;
	[dreg:$0x0] =	wrdreg $0x0  }
0xb7: {  	s6 =	sshll.u32 s28, $0x1;
	[dreg:$0x2] =	wrdreg s4  }
0xb8: {  	[dreg:$0x3] =	wrdreg s6  }
0xb9: {  	[dreg:$0x4] =	wrdreg $0xC0  }
0xba: {  	_ =	task [dreg:s22], $0x5FFFF  }
0xbb: {  	[dreg:$0x1] =	wrdreg $0xFFFFFFFF  }
0xbc: {  	[dreg:$0x0] =	wrdreg $0x60  }
0xbd: {  	[dreg:$0x2] =	wrdreg s24  }
0xbe: {  	[dreg:$0x3] =	wrdreg s18  }
0xbf: {  	[dreg:$0x4] =	wrdreg $0x0  }
0xc0: {  	[dreg:$0x5] =	wrdreg $0x9  }
0xc1: {  	_ =	task.clear_ibuf [dreg:s22], $0x6FFFF;
	_ =	strace $0x90000049  }
0xc2: {  	s29 =	simm.s32 $0x9;
	_ =	strace $0x8000004B  }
0xc3: {  	_ =	swait.ge [sflag:s29], $0x1  }
0xc4: {  	[sflag:s29] =	ssyncadd.s32 $0xFFFFFFFF  }
0xc5: {  	_ =	strace $0x9000004B  }
0xc6: {  	_ =	sfence  }
0xc7: {  	s30 =	sld [smem:$0x0];
	_ =	sdelay $0x2  }
0xc8: {  	s31 =	sshll.u32 s1, $0xD;
	s1 =	sshrl.u32 s1, $0x2  }
0xc9: {  	s4 =	sand.u32 $0x4000, s31;
	s1 =	sadd.s32 s1, s30  }
0xca: {  	s0 =	sor.u32 s4, s0;
	s1 =	sshll.u32 s1, $0x11  }
0xcb: {  	s0 =	sor.u32 s1, s0  }
0xcc: {  	s0 =	sadd.s32 $0x8F2B, s0  }
0xcd: {  	[sflag:s0] =	ssyncadd.remote.s32 $0x1  }
0xce: {  	_ =	sfence.sel $0xFFFF  }
0xcf: {  	[dreg:$0x0] =	wrdreg $0xFFFFFFFF;
	(pc) =	sbr.abs _section_cstart, $3  }
0xd0: {  	[dreg:$0x1] =	wrdreg $0xFFFFFFFF  }
0xd1: {  	_ =	task.clear_ibuf [dreg:s22], $0x2FFFF;
	_ =	strace $0x9FFFFFFF  }
0xd2: {  	(tm) =	ssettm $0x7FFFFFFF  }
0xd3: {  	_ =	shalt  }
tec
execute0_lowered:
.L_overlay_start_1:
0x0: {  	(tag) =	ssettag $0x1  }
0x1: {  	s11 =	rddreg [dreg:$0x0]  }
0x2: {  	s2 =	rddreg [dreg:$0x1]  }
0x3: {  	s0 =	srdreg.scid;
	s3 =	rddreg [dreg:$0x2]  }
0x4: {  	s4 =	simm.s32 $0x0;
	s18 =	simm.s32 $0x17C00;
	s10 =	sand.u32 $0x1, s0  }
0x5: {  	s19 =	simm.s32 $0x1;
	s0 =	stileid.u32;
	s7 =	smul.u32 $0x27100, s10  }
0x6: {  	s20 =	simm.s32 $0x80;
	s21 =	simm.s32 $0x2;
	s8 =	smul.u32 $0x3E80, s0  }
0x7: {  	s23 =	simm.s32 $0x0;
	[smem:$0x7FF] =	sst s4;
	s12 =	smul.u32 $0x4F000, s0  }
0x8: {  	s1 =	sshll.u32 s10, $0x4;
	s25 =	ssub.s32 $0x2, s10;
	s30 =	smul.u32 $0x7D000, s0  }
0x9: {  	s29 =	sshll.u32 s0, $0x6;
	s16 =	smul.u32 $0x280, s10;
	s10 =	sadd.s32 $0x2D6400, s11  }
0xa: {  	s17 =	smul.u32 $0x28, s0;
	p0 =	sgt.u32 s0, $0x9;
	s5 =	sor.u32 s0, s1  }
0xb: {  	s1 =	rddreg [dreg:$0x3];
	_ =	strace $0x8000004A;
	s6 =	smul.u32 $0x14000, s5  }
0xc: {  	s26 =	sshrl.u32 s25, $0x1;
	s5 =	smul.u32 $0x280, s5;
	s7 =	sadd.s32 s8, s7  }
0xd: {  	s14 =	ssub.s32 s25, s26;
	s28 =	sshrl.u32 s12, $0x2;
	s8 =	sor.u32 $0x1C03, s29  }
0xe: {  	s31 =	sshrl.u32 s30, $0x2;
	s13 =	sadd.s32 s7, s11;
	s15 =	sadd.s32 s28, s3  }
0xf: {  	s22 =	sadd.s32 s31, s3;
	s12 =	smax.u32 s14, $0x1;
	s5 =	sadd.s32 s5, s11  }
0x10: {  	s9 =	sadd.s32 s6, s11;
	s14 =	sshrl.u32 s15, $0x3;
	s5 =	sadd.s32 $0x554C00, s5  }
0x11: {  	s15 =	simm.s32 $0x3;
	s6 =	sadd.s32 $0x2D4C00, s9;
	s7 =	sadd.s32 $0x2D5400, s9  }
0x12: {  	s22 =	sshrl.u32 @!p0 s22, $0x3;
	s9 =	sadd.s32 $0x2D5C00, s11;
	s11 =	sadd.s32 $0x559C00, s13  }
0x13: {  	s13 =	sadd.s32 s17, s16;
	s16 =	simm.s32 $0x1BC00;
	s17 =	simm.s32 $0x13C00  }
.LBB2_1:
0x14: {  	[spmem:s14], [sflag:s8] =	dma.local [hbm:s2], $0x2780  }
0x15: {  	_ =	swait.ge [sflag:s15], $0x2780  }
0x16: {  	[sflag:s15] =	ssyncset.done $0x0  }
0x17: {  	[sflag:s15] =	ssyncadd.s32 $0xFFFFD880  }
0x18: {  	[tilespmem:s16], [sflag:$0x3] =	stream.linear.gather [hbm4b:s5+s4], $0x1400, $0x38;
	[tilespmem:$0x1D000] =	vst v63  }
0x19: {  	_ =	swait.ge [sflag:s15], $0x1400  }
0x1a: {  	[sflag:s15] =	ssyncset.done $0x0  }
0x1b: {  	[sflag:s15] =	ssyncadd.s32 $0xFFFFEC00  }
0x1c: {  	[bflag:$0x0] =	sbarrier.arrive $0xFFFF  }
0x1d: {  	[tilespmem:s17], [sflag:$0x1] =	stream.linear.gather [hbm4b:s6+s4], $0x4000, $0x38;
	[tilespmem:$0x1D000] =	vst v63  }
0x1e: {  	_ = 	snop  }
0x1f: {  	[tilespmem:s18], [sflag:$0x2] =	stream.linear.gather [hbm4b:s7+s4], $0x4000, $0x38;
	[tilespmem:$0x1D000] =	vst v63  }
0x20: {  	_ =	swait.ge [sflag:s19], $0x4000  }
0x21: {  	s25 =	sadd.s32 $0x0, s13;
	s24 =	simm.s32 $0x1BC00;
	[sflag:s19] =	ssyncset.done $0x0  }
0x22: {  	p1 =	slt.s32 s25, $0x4FD;
	s26 =	smov.u32 s25;
	[sflag:s19] =	ssyncadd.s32 $0xFFFFC000  }
0x23: {  	[spmem:s3] =	stream.indirect.scatter.add.f32 [tilespmem:s17], [sflag:$0x3], $0x80, s24, s20, $0xb8;
	[tilespmem:$0x1D000] =	vst v63  }
0x24: {  	s26 =	simm.s32 @!p1 $0x4FD;
	_ =	swait.ge [sflag:s15], $0x4000  }
0x25: {  	s30 =	sshll.u32 s26, $0xB;
	[sflag:s15] =	ssyncset.done $0x0  }
0x26: {  	s24 =	sadd.s32 s30, s9;
	[sflag:s15] =	ssyncadd.s32 $0xFFFFC000  }
0x27: {  	[tilespmem:s17], [sflag:$0x1] =	stream.linear.gather [hbm4b:s24+s4], $0x4000, $0x38;
	[tilespmem:$0x1D000] =	vst v63  }
0x28: {  	p1 =	slt.s32 s25, $0x4FC;
	_ =	swait.ge [sflag:s21], $0x4000  }
0x29: {  	s25 =	simm.s32 @!p1 $0x4FC;
	[sflag:s21] =	ssyncset.done $0x0  }
0x2a: {  	s31 =	sshll.u32 s25, $0xB;
	s24 =	simm.s32 $0x1BC80;
	[sflag:s21] =	ssyncadd.s32 $0xFFFFC000  }
0x2b: {  	[spmem:s3] =	stream.indirect.scatter.add.f32 [tilespmem:s18], [sflag:$0x3], $0x80, s24, s20, $0xb8;
	[tilespmem:$0x1D000] =	vst v63  }
0x2c: {  	s25 =	simm.s32 $0x2;
	s26 =	sadd.s32 s31, s10;
	_ =	swait.ge [sflag:s15], $0x4000  }
.LBB2_2:
0x2d: {  	p1 =	sne.s32 s25, $0x26  }
0x2e: {  	[sflag:s15] =	ssyncset.done $0x0;
	s24 =	sadd.s32 $0x100, s24;
	s28 =	smov.u32 s25  }
0x2f: {  	s25 =	sadd.s32 $0x2, s25;
	[sflag:s15] =	ssyncadd.s32 $0xFFFFC000;
	s28 =	sadd.s32 s28, s13  }
0x30: {  	[tilespmem:s18], [sflag:$0x2] =	stream.linear.gather [hbm4b:s26+s4], $0x4000, $0x38;
	[tilespmem:$0x1D000] =	vst v63  }
0x31: {  	s26 =	sadd.s32 $0xFFFFFF80, s24;
	p2 =	slt.s32 s28, $0x4FD;
	_ =	swait.ge [sflag:s19], $0x4000  }
0x32: {  	p3 =	slt.s32 s28, $0x4FC;
	s29 =	smov.u32 s28;
	[sflag:s19] =	ssyncset.done $0x0  }
0x33: {  	s29 =	simm.s32 @!p2 $0x4FD;
	s28 =	simm.s32 @!p3 $0x4FC;
	[sflag:s19] =	ssyncadd.s32 $0xFFFFC000  }
0x34: {  	[spmem:s3] =	stream.indirect.scatter.add.f32 [tilespmem:s17], [sflag:$0x3], $0x80, s26, s20, $0xb8;
	[tilespmem:$0x1D000] =	vst v63  }
0x35: {  	s28 =	sshll.u32 s28, $0xB;
	s26 =	sshll.u32 s29, $0xB;
	_ =	swait.ge [sflag:s15], $0x4000  }
0x36: {  	s26 =	sadd.s32 s26, s9;
	[sflag:s15] =	ssyncset.done $0x0  }
0x37: {  	[sflag:s15] =	ssyncadd.s32 $0xFFFFC000  }
0x38: {  	[tilespmem:s17], [sflag:$0x1] =	stream.linear.gather [hbm4b:s26+s4], $0x4000, $0x38;
	[tilespmem:$0x1D000] =	vst v63  }
.Ltmp0:
0x39: {  	_ =	swait.ge [sflag:s21], $0x4000;
	(pc) =	sbr.rel @p1 .LBB2_2-.Ltmp0, $4  }
0x3a: {  	[sflag:s21] =	ssyncset.done $0x0  }
0x3b: {  	[sflag:s21] =	ssyncadd.s32 $0xFFFFC000  }
0x3c: {  	[spmem:s3] =	stream.indirect.scatter.add.f32 [tilespmem:s18], [sflag:$0x3], $0x80, s24, s20, $0xb8;
	[tilespmem:$0x1D000] =	vst v63  }
0x3d: {  	s26 =	sadd.s32 s28, s10;
	_ =	swait.ge [sflag:s15], $0x4000  }
0x3e: {  	[sflag:s15] =	ssyncset.done $0x0  }
0x3f: {  	[sflag:s15] =	ssyncadd.s32 $0xFFFFC000  }
0x40: {  	[tilespmem:s18], [sflag:$0x2] =	stream.linear.gather [hbm4b:s26+s4], $0x4000, $0x38;
	[tilespmem:$0x1D000] =	vst v63  }
0x41: {  	_ =	swait.ge [sflag:s19], $0x4000  }
0x42: {  	[sflag:s19] =	ssyncset.done $0x0  }
0x43: {  	[sflag:s19] =	ssyncadd.s32 $0xFFFFC000  }
0x44: {  	_ =	swait.ge [sflag:s21], $0x4000  }
0x45: {  	s23 =	sadd.s32 $0x1, s23;
	[sflag:s21] =	ssyncset.done $0x0  }
0x46: {  	p1 =	sne.s32 s23, s12;
	[sflag:s21] =	ssyncadd.s32 $0xFFFFC000  }
.Ltmp1:
0x47: {  	s24 =	simm.s32 @!p0 $0x3;
	[bflag:$0x0] =	sbarrier.arrive $0xFFFF;
	(pc) =	sbr.rel @p1 .LBB2_1-.Ltmp1, $4  }
0x48: {  	[hbm:s11], [sflag:s8] =	dma.local @!p0 [spmem:s22], $0x3E80  }
0x49: {  	_ =	swait.ge @!p0 [sflag:s24], $0x3E80  }
0x4a: {  	[sflag:s24] =	ssyncset.done @!p0 $0x0  }
0x4b: {  	[sflag:s24] =	ssyncadd.s32 @!p0 $0xFFFFC180  }
0x4c: {  	_ =	sfence.sel $0x180000  }
0x4d: {  	[bflag:$0x0] =	sbarrier.arrive $0xFFFF  }
0x4e: {  	p0 =	sne.s32 s0, $0x0;
	_ =	strace $0x9000004A  }
0x4f: {  	s0 =	sadd.s32 @!p0 $0x100000, s1;
	[bflag:$0x2] =	sbarrier.arrive $0xFFFF  }
0x50: {  	[sflag:s0] =	ssyncadd.tile.s32 @!p0 $0x1;
	_ =	shalt  }
.Lfunc_end2:
_tile_overlayer_lowered:
.L_overlay_start_2:
0x51: {  	(tag) =	ssettag $0x2  }
0x52: {  	s0 =	rddreg [dreg:$0x0];
	s2 =	stileid.u32  }
0x53: {  	s1 =	rddreg [dreg:$0x1];
	p0 =	sne.s32 s2, $0x0  }
0x54: {  	s3 =	rddreg [dreg:$0x2];
	[bflag:$0x3] =	sbarrier.arrive $0xFFFF;
	s2 =	simm.s32 @!p0 $0x1C03  }
0x55: {  	[timem:s3], [sflag:s2] =	dma.local @!p0 [hbm:s0], s1  }
0x56: {  	s0 =	simm.s32 @!p0 $0x3  }
0x57: {  	_ =	swait.ge @!p0 [sflag:s0], s1  }
0x58: {  	s1 =	ssub.s32 @!p0 $0x0, s1;
	[sflag:s0] =	ssyncset.done @!p0 $0x0  }
0x59: {  	[sflag:s0] =	ssyncadd.s32 @!p0 s1  }
0x5a: {  	[bflag:$0x3] =	sbarrier.arrive $0xFFFF  }
0x5b: {  	_ =	shalt  }

// kernel: kernel.8.cloned.1.call-start
scs
__scs_entry_jumppad:
0x0: {  	(pc) =	sbr.rel $0x88, $3  }
0x1: {  	(tag) =	ssettag $0x0;
	lr =	simm.s32 $0x1  }
0x2: {  	[smem:$0x3F97] =	sst lr;
	_ =	strace $0xD0000000  }
0x3: {  	_ = 	snop  }
0x4: {  	_ = 	snop  }
0x5: {  	_ = 	snop  }
0x6: {  	_ = 	snop  }
0x7: {  	_ = 	snop  }
__scs_overlays_trampoline_lowered:
0x8: {  	[smem:$0x3FA6] =	sst s0  }
0x9: {  	[smem:$0x3FA7] =	sst s1  }
0xa: {  	[smem:$0x3FA8] =	sst s2  }
0xb: {  	[smem:$0x3FA9] =	sst s3  }
0xc: {  	[smem:$0x3FAA] =	sst s4  }
0xd: {  	[smem:$0x3FAB] =	sst s5  }
0xe: {  	[smem:$0x3FAC] =	sst s6  }
0xf: {  	[smem:$0x3FAD] =	sst s7  }
0x10: {  	[smem:$0x3FAE] =	sst s8  }
0x11: {  	[smem:$0x3FAF] =	sst s9;
	s0 =	simm.s32 @!p0 $0x0  }
0x12: {  	s1 =	sld [smem:$0x3F95];
	s0 =	simm.s32 @p0 $0x1  }
0x13: {  	[smem:$0x3FB0] =	sst s0;
	s0 =	simm.s32 @!p1 $0x0  }
0x14: {  	s2 =	sld [smem:$0x3F94];
	s0 =	simm.s32 @p1 $0x1  }
0x15: {  	[smem:$0x3FB1] =	sst s0;
	s0 =	simm.s32 @!p2 $0x0  }
0x16: {  	s3 =	sld [smem:$0x3FDB];
	s0 =	simm.s32 @p2 $0x1  }
0x17: {  	s4 =	simm.s32 $0x1BF5;
	[smem:$0x3FB3] =	sst s0  }
0x18: {  	s0 =	sld [smem:$0x3F96];
	_ =	swait.ge [sflag:s4], $0x0  }
0x19: {  	s7 =	sld [smem:$0x3F97]  }
0x1a: {  	s8 =	sadd.s32 $0xFFFFE003, lr  }
0x1b: {  	s9 =	sadd.s32 $0xFFFFFEF7, lr;
	s5 =	simm.s32 $0xFFFFFFFF;
	p2 =	slt.u32 s8, $0xFFFFF086  }
0x1c: {  	p1 =	slt.u32 s9, $0xF7A;
	s5 =	simm.s32 @!p2 $0x0  }
0x1d: {  	s5 =	simm.s32 @p1 $0x1;
	p0 =	seq.s32 s7, s2  }
0x1e: {  	s7 =	smul.u32 @!p0 $0xF7A, s2;
	p2 =	seq.s32 @!p0 s5, $0x0  }
0x1f: {  	s9 =	smul.u32 $0xF7A, s1;
	s8 =	simm.s32 @!p0 $0x1BF5;
	p2 =	por !p2, p0  }
0x20: {  	[sflag:s8] =	ssyncset.s32 @!p0 $0xFFFFF086;
	s6 =	sadd.s32 @!p0 s3, s7;
	s7 =	simm.s32 @!p0 $0x108  }
0x21: {  	s3 =	sadd.s32 s3, s9;
	s6 =	sadd.s32 @!p0 $0x88, s6;
	s7 =	simm.s32 @p2 $0x1082  }
0x22: {  	[simem:s7], [sflag:s8] =	dma.local @!p0 [hbm:s6], $0xF7A  }
0x23: {  	s9 =	sor.u32 $0xD0000000, s2;
	s6 =	simm.s32 $0x108;
	_ =	swait.ge @!p0 [sflag:s8], $0x0  }
0x24: {  	s3 =	sadd.s32 $0x88, s3;
	s6 =	simm.s32 @!p1 $0x1082;
	[sflag:s4] =	ssyncset.s32 $0xFFFFF086  }
0x25: {  	[simem:s6], [sflag:s4] =	dma.local [hbm:s3], $0xF7A  }
0x26: {  	[smem:$0x3F97] =	sst s1;
	(tag) =	ssettag s2;
	_ =	strace s9  }
0x27: {  	s1 =	sld [smem:$0x3FA7]  }
0x28: {  	s2 =	sld [smem:$0x3FA8]  }
0x29: {  	s4 =	sld [smem:$0x3FAA]  }
0x2a: {  	p0 =	seq.s32 s5, $0x0;
	s5 =	sld [smem:$0x3FAB]  }
0x2b: {  	s6 =	sld [smem:$0x3FAC]  }
0x2c: {  	s7 =	sld [smem:$0x3FAD]  }
0x2d: {  	s3 =	simm.s32 $0x108;
	s8 =	sld [smem:$0x3FAE]  }
0x2e: {  	s3 =	simm.s32 @!p0 $0x1082;
	s9 =	sld [smem:$0x3FAF]  }
0x2f: {  	lr =	sadd.s32 s0, s3;
	s0 =	sld [smem:$0x3FA6]  }
0x30: {  	s3 =	sld [smem:$0x3FA9]  }
0x31: {  	[smem:$0x3FB2] =	sst s10  }
0x32: {  	s10 =	sld [smem:$0x3FB0];
	_ =	sdelay $0x3  }
0x33: {  	p0 =	seq.s32 s10, $0x1;
	s10 =	sld [smem:$0x3FB2];
	_ =	sdelay $0x3  }
0x34: {  	[smem:$0x3FB2] =	sst s10  }
0x35: {  	s10 =	sld [smem:$0x3FB1];
	_ =	sdelay $0x3  }
0x36: {  	p1 =	seq.s32 s10, $0x1;
	s10 =	sld [smem:$0x3FB2];
	_ =	sdelay $0x3  }
0x37: {  	[smem:$0x3FB2] =	sst s10  }
0x38: {  	s10 =	sld [smem:$0x3FB3]  }
0x39: {  	_ = 	snop;
	(pc) =	sbr.ind lr, $3  }
0x3a: {  	_ = 	snop  }
0x3b: {  	_ = 	snop  }
0x3c: {  	p2 =	seq.s32 s10, $0x1;
	s10 =	sld [smem:$0x3FB2]  }
0x3d: {  	_ =	shalt  }
0x3e: {  	_ =	shalt  }
0x3f: {  	_ =	shalt  }
0x40: {  	_ =	shalt  }
0x41: {  	_ =	shalt  }
0x42: {  	_ =	shalt  }
0x43: {  	_ =	shalt  }
0x44: {  	_ =	shalt  }
0x45: {  	_ =	shalt  }
0x46: {  	_ =	shalt  }
0x47: {  	_ =	shalt  }
0x48: {  	_ =	shalt  }
0x49: {  	_ =	shalt  }
0x4a: {  	_ =	shalt  }
0x4b: {  	_ =	shalt  }
0x4c: {  	_ =	shalt  }
0x4d: {  	_ =	shalt  }
0x4e: {  	_ =	shalt  }
0x4f: {  	_ =	shalt  }
0x50: {  	_ =	shalt  }
0x51: {  	_ =	shalt  }
0x52: {  	_ =	shalt  }
0x53: {  	_ =	shalt  }
0x54: {  	_ =	shalt  }
0x55: {  	_ =	shalt  }
0x56: {  	_ =	shalt  }
0x57: {  	_ =	shalt  }
0x58: {  	_ =	shalt  }
0x59: {  	_ =	shalt  }
0x5a: {  	_ =	shalt  }
0x5b: {  	_ =	shalt  }
0x5c: {  	_ =	shalt  }
0x5d: {  	_ =	shalt  }
0x5e: {  	_ =	shalt  }
0x5f: {  	_ =	shalt  }
0x60: {  	_ =	shalt  }
0x61: {  	_ =	shalt  }
0x62: {  	_ =	shalt  }
0x63: {  	_ =	shalt  }
0x64: {  	_ =	shalt  }
0x65: {  	_ =	shalt  }
0x66: {  	_ =	shalt  }
0x67: {  	_ =	shalt  }
0x68: {  	_ =	shalt  }
0x69: {  	_ =	shalt  }
0x6a: {  	_ =	shalt  }
0x6b: {  	_ =	shalt  }
0x6c: {  	_ =	shalt  }
0x6d: {  	_ =	shalt  }
0x6e: {  	_ =	shalt  }
0x6f: {  	_ =	shalt  }
0x70: {  	_ =	shalt  }
0x71: {  	_ =	shalt  }
0x72: {  	_ =	shalt  }
0x73: {  	_ =	shalt  }
0x74: {  	_ =	shalt  }
0x75: {  	_ =	shalt  }
0x76: {  	_ =	shalt  }
0x77: {  	_ =	shalt  }
0x78: {  	_ =	shalt  }
0x79: {  	_ =	shalt  }
0x7a: {  	_ =	shalt  }
0x7b: {  	_ =	shalt  }
0x7c: {  	_ =	shalt  }
0x7d: {  	_ =	shalt  }
0x7e: {  	_ =	shalt  }
0x7f: {  	_ =	shalt  }
0x80: {  	_ =	shalt  }
0x81: {  	_ =	shalt  }
0x82: {  	_ =	shalt  }
0x83: {  	_ =	shalt  }
0x84: {  	_ =	shalt  }
0x85: {  	_ =	shalt  }
0x86: {  	_ =	shalt  }
0x87: {  	_ =	shalt  }
.Lfunc_end0:
.L_simem_size_0:
called_computation.1_lowered:
.L_overlay_start_0:
0x88: {  	s2 =	sld [smem:$0x3FD9]  }
0x89: {  	s3 =	sld [smem:$0x3FFE];
	_ =	sdelay $0x1  }
0x8a: {  	s1 =	srdreg.scid  }
0x8b: {  	s0 =	sand.u32 $0x1, s1  }
0x8c: {  	s17 =	sshll.u32 s0, $0xA;
	s2 =	sadd.s32 s3, s2  }
0x8d: {  	s2 =	sadd.s32 s2, s17  }
0x8e: {  	[smem:$0x3FBE] =	sst s2  }
0x8f: {  	_ = 	snop  }
0x90: {  	s2 =	sld [smem:$0x3FD0];
	(tm) =	ssettm $0x1  }
0x91: {  	s18 =	sld [smem:$0x3FFB];
	_ =	sdelay $0x3  }
0x92: {  	_ =	strace s18  }
0x93: {  	s3 =	sld [smem:$0x3FFC];
	_ =	sdelay $0x3  }
0x94: {  	_ =	strace s3  }
0x95: {  	s3 =	sld [smem:$0x3FFD];
	_ =	sdelay $0x3  }
0x96: {  	_ =	strace s3  }
0x97: {  	_ =	strace $0x8FFFFFFF  }
0x98: {  	s19 =	sld [smem:$0x3FDB];
	_ =	sdelay $0x1  }
0x99: {  	s4 =	simm.s32 $_scs_section_size  }
0x9a: {  	s5 =	simm.s32 $_size__tile_overlayer_lowered;
	s6 =	simm.s32 $_tile_overlayer_lowered  }
0x9b: {  	s22 =	simm.s32 $0x1BFF;
	s21 =	sshll.u32 s6, $0x1;
	s3 =	sadd.s32 s4, s19  }
0x9c: {  	s7 =	simm.s32 $0x0;
	s20 =	sshll.u32 s5, $0x1;
	s5 =	sadd.s32 s21, s3  }
0x9d: {  	[timem:s7], [sflag:s22] =	dma.local [hbm:s5], s20  }
0x9e: {  	_ =	swait.ge [sflag:s22], s20  }
0x9f: {  	s4 =	ssub.s32 $0x0, s20;
	[sflag:s22] =	ssyncset.done $0x0  }
0xa0: {  	[sflag:s22] =	ssyncadd.s32 s4;
	_ =	sdelay $0x1  }
0xa1: {  	s23 =	simm.s32 $0x1B8B  }
0xa2: {  	_ =	swait.ge [sflag:s23], $0x1  }
0xa3: {  	[sflag:s23] =	ssyncset.done $0x0  }
0xa4: {  	s25 =	simm.s32 $0x1B8E;
	s24 =	sld [smem:$0x3FFE];
	[sflag:s23] =	ssyncadd.s32 $0xFFFFFFFF  }
0xa5: {  	s26 =	simm.s32 $execute0_lowered;
	[smem:$0x3FD2] =	sst s25  }
0xa6: {  	s5 =	sshll.u32 s26, $0x1;
	_ =	strace $0x80000046;
	[dreg:$0x1] =	wrdreg $0xFFFFFFFF  }
0xa7: {  	s28 =	simm.s32 $_size_execute0_lowered;
	s3 =	sadd.s32 s3, s5;
	[dreg:$0x0] =	wrdreg $0x0  }
0xa8: {  	s5 =	sshll.u32 s28, $0x1;
	[dreg:$0x2] =	wrdreg s3  }
0xa9: {  	[dreg:$0x3] =	wrdreg s5  }
0xaa: {  	[dreg:$0x4] =	wrdreg $0xC0  }
0xab: {  	_ =	task [dreg:s7], $0x5FFFF  }
0xac: {  	[dreg:$0x1] =	wrdreg $0xFFFFFFFF  }
0xad: {  	[dreg:$0x0] =	wrdreg $0x60  }
0xae: {  	[dreg:$0x2] =	wrdreg s24  }
0xaf: {  	[dreg:$0x3] =	wrdreg s2  }
0xb0: {  	[dreg:$0x4] =	wrdreg $0x0  }
0xb1: {  	[dreg:$0x5] =	wrdreg $0xA  }
0xb2: {  	_ =	task.clear_ibuf [dreg:s7], $0x6FFFF;
	_ =	strace $0x90000046  }
0xb3: {  	s29 =	simm.s32 $0xA;
	_ =	strace $0x80000048  }
0xb4: {  	_ =	swait.ge [sflag:s29], $0x1  }
0xb5: {  	[sflag:s29] =	ssyncadd.s32 $0xFFFFFFFF  }
0xb6: {  	_ =	strace $0x90000048  }
0xb7: {  	_ =	sfence  }
0xb8: {  	s30 =	sld [smem:$0x0];
	_ =	sdelay $0x2  }
0xb9: {  	s31 =	sshll.u32 s1, $0xD;
	s1 =	sshrl.u32 s1, $0x2  }
0xba: {  	s3 =	sand.u32 $0x4000, s31;
	s1 =	sadd.s32 s1, s30  }
0xbb: {  	s0 =	sor.u32 s3, s0;
	s1 =	sshll.u32 s1, $0x11  }
0xbc: {  	s0 =	sor.u32 s1, s0  }
0xbd: {  	s0 =	sadd.s32 $0x8F2B, s0  }
0xbe: {  	[sflag:s0] =	ssyncadd.remote.s32 $0x1  }
0xbf: {  	_ =	sfence.sel $0xFFFF  }
0xc0: {  	[dreg:$0x0] =	wrdreg $0xFFFFFFFF;
	(pc) =	sbr.abs _section_cstart, $3  }
0xc1: {  	[dreg:$0x1] =	wrdreg $0xFFFFFFFF  }
0xc2: {  	_ =	task.clear_ibuf [dreg:s7], $0x2FFFF;
	_ =	strace $0x9FFFFFFF  }
0xc3: {  	(tm) =	ssettm $0x7FFFFFFF  }
tec
execute0_lowered:
.L_overlay_start_1:
0x0: {  	(tag) =	ssettag $0x1  }
0x1: {  	s11 =	rddreg [dreg:$0x0]  }
0x2: {  	s2 =	rddreg [dreg:$0x1]  }
0x3: {  	s0 =	srdreg.scid;
	s3 =	rddreg [dreg:$0x2]  }
0x4: {  	s4 =	simm.s32 $0x0;
	s17 =	simm.s32 $0x13C00;
	s10 =	sand.u32 $0x1, s0  }
0x5: {  	s18 =	simm.s32 $0x17C00;
	s0 =	stileid.u32;
	s7 =	smul.u32 $0x27100, s10  }
0x6: {  	s19 =	simm.s32 $0x1;
	s20 =	simm.s32 $0x80;
	s8 =	smul.u32 $0x3E80, s0  }
0x7: {  	s21 =	simm.s32 $0x2;
	[smem:$0x7FF] =	sst s4;
	s24 =	smul.u32 $0x4F000, s0  }
0x8: {  	s1 =	sshll.u32 s10, $0x4;
	s26 =	ssub.s32 $0x2, s10;
	s29 =	smul.u32 $0x7D000, s0  }
0x9: {  	s13 =	sshll.u32 s0, $0x6;
	s16 =	smul.u32 $0x280, s10;
	s10 =	sadd.s32 $0x8200, s11  }
0xa: {  	s31 =	smul.u32 $0x28, s0;
	p0 =	sgt.u32 s0, $0x9;
	s5 =	sor.u32 s0, s1  }
0xb: {  	s1 =	rddreg [dreg:$0x3];
	_ =	strace $0x80000047;
	s6 =	smul.u32 $0x14000, s5  }
0xc: {  	s28 =	sshrl.u32 s26, $0x1;
	s5 =	smul.u32 $0x280, s5;
	s23 =	sadd.s32 s8, s7  }
0xd: {  	s7 =	sshrl.u32 s24, $0x2;
	s14 =	ssub.s32 s26, s28;
	s30 =	sshrl.u32 s29, $0x2  }
0xe: {  	s12 =	sadd.s32 s23, s11;
	s15 =	sadd.s32 s7, s3;
	s22 =	sadd.s32 s30, s3  }
0xf: {  	s23 =	simm.s32 $0x0;
	s9 =	sadd.s32 s6, s11;
	s25 =	sadd.s32 s5, s11  }
0x10: {  	s5 =	sor.u32 $0x1C03, s13;
	s13 =	sadd.s32 s31, s16;
	s16 =	simm.s32 $0x1BC00  }
0x11: {  	s22 =	sshrl.u32 @!p0 s22, $0x3;
	s6 =	sadd.s32 $0x1A00, s25;
	s7 =	sadd.s32 $0x6A00, s9  }
0x12: {  	s8 =	sadd.s32 $0x7200, s9;
	s9 =	sadd.s32 $0x7A00, s11;
	s11 =	sadd.s32 $0x286A00, s12  }
0x13: {  	s12 =	smax.u32 s14, $0x1;
	s14 =	sshrl.u32 s15, $0x3;
	s15 =	simm.s32 $0x3  }
.LBB2_1:
0x14: {  	[spmem:s14], [sflag:s5] =	dma.local [hbm:s2], $0x2780  }
0x15: {  	_ =	swait.ge [sflag:s15], $0x2780  }
0x16: {  	[sflag:s15] =	ssyncset.done $0x0  }
0x17: {  	[sflag:s15] =	ssyncadd.s32 $0xFFFFD880  }
0x18: {  	[tilespmem:s16], [sflag:$0x3] =	stream.linear.gather [hbm4b:s6+s4], $0x1400, $0x38;
	[tilespmem:$0x1D000] =	vst v63  }
0x19: {  	_ =	swait.ge [sflag:s15], $0x1400  }
0x1a: {  	[sflag:s15] =	ssyncset.done $0x0  }
0x1b: {  	[sflag:s15] =	ssyncadd.s32 $0xFFFFEC00  }
0x1c: {  	[bflag:$0x0] =	sbarrier.arrive $0xFFFF  }
0x1d: {  	[tilespmem:s17], [sflag:$0x1] =	stream.linear.gather [hbm4b:s7+s4], $0x4000, $0x38;
	[tilespmem:$0x1D000] =	vst v63  }
0x1e: {  	_ = 	snop  }
0x1f: {  	[tilespmem:s18], [sflag:$0x2] =	stream.linear.gather [hbm4b:s8+s4], $0x4000, $0x38;
	[tilespmem:$0x1D000] =	vst v63  }
0x20: {  	_ =	swait.ge [sflag:s19], $0x4000  }
0x21: {  	s25 =	sadd.s32 $0x0, s13;
	s24 =	simm.s32 $0x1BC00;
	[sflag:s19] =	ssyncset.done $0x0  }
0x22: {  	p1 =	slt.s32 s25, $0x4FD;
	s26 =	smov.u32 s25;
	[sflag:s19] =	ssyncadd.s32 $0xFFFFC000  }
0x23: {  	[spmem:s3] =	stream.indirect.scatter.add.f32 [tilespmem:s17], [sflag:$0x3], $0x80, s24, s20, $0xb8;
	[tilespmem:$0x1D000] =	vst v63  }
0x24: {  	s26 =	simm.s32 @!p1 $0x4FD;
	_ =	swait.ge [sflag:s15], $0x4000  }
0x25: {  	s30 =	sshll.u32 s26, $0xB;
	[sflag:s15] =	ssyncset.done $0x0  }
0x26: {  	s24 =	sadd.s32 s30, s9;
	[sflag:s15] =	ssyncadd.s32 $0xFFFFC000  }
0x27: {  	[tilespmem:s17], [sflag:$0x1] =	stream.linear.gather [hbm4b:s24+s4], $0x4000, $0x38;
	[tilespmem:$0x1D000] =	vst v63  }
0x28: {  	p1 =	slt.s32 s25, $0x4FC;
	_ =	swait.ge [sflag:s21], $0x4000  }
0x29: {  	s25 =	simm.s32 @!p1 $0x4FC;
	[sflag:s21] =	ssyncset.done $0x0  }
0x2a: {  	s31 =	sshll.u32 s25, $0xB;
	s24 =	simm.s32 $0x1BC80;
	[sflag:s21] =	ssyncadd.s32 $0xFFFFC000  }
0x2b: {  	[spmem:s3] =	stream.indirect.scatter.add.f32 [tilespmem:s18], [sflag:$0x3], $0x80, s24, s20, $0xb8;
	[tilespmem:$0x1D000] =	vst v63  }
0x2c: {  	s25 =	simm.s32 $0x2;
	s26 =	sadd.s32 s31, s10;
	_ =	swait.ge [sflag:s15], $0x4000  }
.LBB2_2:
0x2d: {  	p1 =	sne.s32 s25, $0x26  }
0x2e: {  	[sflag:s15] =	ssyncset.done $0x0;
	s24 =	sadd.s32 $0x100, s24;
	s28 =	smov.u32 s25  }
0x2f: {  	s25 =	sadd.s32 $0x2, s25;
	[sflag:s15] =	ssyncadd.s32 $0xFFFFC000;
	s28 =	sadd.s32 s28, s13  }
0x30: {  	[tilespmem:s18], [sflag:$0x2] =	stream.linear.gather [hbm4b:s26+s4], $0x4000, $0x38;
	[tilespmem:$0x1D000] =	vst v63  }
0x31: {  	s26 =	sadd.s32 $0xFFFFFF80, s24;
	p2 =	slt.s32 s28, $0x4FD;
	_ =	swait.ge [sflag:s19], $0x4000  }
0x32: {  	p3 =	slt.s32 s28, $0x4FC;
	s29 =	smov.u32 s28;
	[sflag:s19] =	ssyncset.done $0x0  }
0x33: {  	s29 =	simm.s32 @!p2 $0x4FD;
	s28 =	simm.s32 @!p3 $0x4FC;
	[sflag:s19] =	ssyncadd.s32 $0xFFFFC000  }
0x34: {  	[spmem:s3] =	stream.indirect.scatter.add.f32 [tilespmem:s17], [sflag:$0x3], $0x80, s26, s20, $0xb8;
	[tilespmem:$0x1D000] =	vst v63  }
0x35: {  	s28 =	sshll.u32 s28, $0xB;
	s26 =	sshll.u32 s29, $0xB;
	_ =	swait.ge [sflag:s15], $0x4000  }
0x36: {  	s26 =	sadd.s32 s26, s9;
	[sflag:s15] =	ssyncset.done $0x0  }
0x37: {  	[sflag:s15] =	ssyncadd.s32 $0xFFFFC000  }
0x38: {  	[tilespmem:s17], [sflag:$0x1] =	stream.linear.gather [hbm4b:s26+s4], $0x4000, $0x38;
	[tilespmem:$0x1D000] =	vst v63  }
.Ltmp0:
0x39: {  	_ =	swait.ge [sflag:s21], $0x4000;
	(pc) =	sbr.rel @p1 .LBB2_2-.Ltmp0, $4  }
0x3a: {  	[sflag:s21] =	ssyncset.done $0x0  }
0x3b: {  	[sflag:s21] =	ssyncadd.s32 $0xFFFFC000  }
0x3c: {  	[spmem:s3] =	stream.indirect.scatter.add.f32 [tilespmem:s18], [sflag:$0x3], $0x80, s24, s20, $0xb8;
	[tilespmem:$0x1D000] =	vst v63  }
0x3d: {  	s26 =	sadd.s32 s28, s10;
	_ =	swait.ge [sflag:s15], $0x4000  }
0x3e: {  	[sflag:s15] =	ssyncset.done $0x0  }
0x3f: {  	[sflag:s15] =	ssyncadd.s32 $0xFFFFC000  }
0x40: {  	[tilespmem:s18], [sflag:$0x2] =	stream.linear.gather [hbm4b:s26+s4], $0x4000, $0x38;
	[tilespmem:$0x1D000] =	vst v63  }
0x41: {  	_ =	swait.ge [sflag:s19], $0x4000  }
0x42: {  	[sflag:s19] =	ssyncset.done $0x0  }
0x43: {  	[sflag:s19] =	ssyncadd.s32 $0xFFFFC000  }
0x44: {  	_ =	swait.ge [sflag:s21], $0x4000  }
0x45: {  	s23 =	sadd.s32 $0x1, s23;
	[sflag:s21] =	ssyncset.done $0x0  }
0x46: {  	p1 =	sne.s32 s23, s12;
	[sflag:s21] =	ssyncadd.s32 $0xFFFFC000  }
.Ltmp1:
0x47: {  	s24 =	simm.s32 @!p0 $0x3;
	[bflag:$0x0] =	sbarrier.arrive $0xFFFF;
	(pc) =	sbr.rel @p1 .LBB2_1-.Ltmp1, $4  }
0x48: {  	[hbm:s11], [sflag:s5] =	dma.local @!p0 [spmem:s22], $0x3E80  }
0x49: {  	_ =	swait.ge @!p0 [sflag:s24], $0x3E80  }
0x4a: {  	[sflag:s24] =	ssyncset.done @!p0 $0x0  }
0x4b: {  	[sflag:s24] =	ssyncadd.s32 @!p0 $0xFFFFC180  }
0x4c: {  	_ =	sfence.sel $0x180000  }
0x4d: {  	[bflag:$0x0] =	sbarrier.arrive $0xFFFF  }
0x4e: {  	p0 =	sne.s32 s0, $0x0;
	_ =	strace $0x90000047  }
0x4f: {  	s0 =	sadd.s32 @!p0 $0x100000, s1;
	[bflag:$0x2] =	sbarrier.arrive $0xFFFF  }
0x50: {  	[sflag:s0] =	ssyncadd.tile.s32 @!p0 $0x1;
	_ =	shalt  }
.Lfunc_end2:
_tile_overlayer_lowered:
.L_overlay_start_2:
0x51: {  	(tag) =	ssettag $0x2  }
0x52: {  	s0 =	rddreg [dreg:$0x0];
	s2 =	stileid.u32  }
0x53: {  	s1 =	rddreg [dreg:$0x1];
	p0 =	sne.s32 s2, $0x0  }
0x54: {  	s3 =	rddreg [dreg:$0x2];
	[bflag:$0x3] =	sbarrier.arrive $0xFFFF;
	s2 =	simm.s32 @!p0 $0x1C03  }
0x55: {  	[timem:s3], [sflag:s2] =	dma.local @!p0 [hbm:s0], s1  }
0x56: {  	s0 =	simm.s32 @!p0 $0x3  }
0x57: {  	_ =	swait.ge @!p0 [sflag:s0], s1  }
0x58: {  	s1 =	ssub.s32 @!p0 $0x0, s1;
	[sflag:s0] =	ssyncset.done @!p0 $0x0  }
0x59: {  	[sflag:s0] =	ssyncadd.s32 @!p0 s1  }
0x5a: {  	[bflag:$0x3] =	sbarrier.arrive $0xFFFF  }
0x5b: {  	_ =	shalt  }

</sc_bundles>
